<compile_context>
chip_gen: v7x
topology: tpu7x:2x2x1
jax: 0.10.2.dev20260603
libtpu: 0.0.44.dev20260713+nightly
codegen_flags: <defaults>
</compile_context>

<pallas_src>
import jax
import jax.numpy as jnp
from jax.experimental import pallas as pl
from jax.experimental.pallas import tpu as pltpu
from jax.experimental.pallas import tpu_sc as plsc

_BR = 2
_LANES = 16


def _sc_body(x_vmem, pe_vmem, o_vmem):
    nb = x_vmem.shape[0]
    ncols = pe_vmem.shape[1]

    @plsc.parallel_loop(0, ncols, step=_LANES, unroll=4)
    def _(c):
        for r in range(_BR):
            slc = (pl.ds(r, 1), pl.ds(c, _LANES))
            pe_vec = pe_vmem.at[*slc][...]
            for b in range(nb):
                o_vmem.at[b].at[*slc][...] = x_vmem.at[b].at[*slc][...] + pe_vec


def kernel(x, pe_weight):
    B, S, D = x.shape

    @pl.kernel(
        out_type=jax.ShapeDtypeStruct((B, S, D), x.dtype),
        mesh=plsc.VectorSubcoreMesh(core_axis_name="c", subcore_axis_name="s"),
        compiler_params=pltpu.CompilerParams(use_tc_tiling_on_sc=True),
    )
    def run(x_hbm, pe_hbm, o_hbm):
        pltpu.emit_pipeline(
            _sc_body,
            grid=(S // _BR,),
            in_specs=[
                pl.BlockSpec((B, _BR, D), lambda i: (0, i, 0)),
                pl.BlockSpec((_BR, D), lambda i: (i, 0)),
            ],
            out_specs=[pl.BlockSpec((B, _BR, D), lambda i: (0, i, 0))],
            core_axis_name=("c", "s"),
            dimension_semantics=(pltpu.PARALLEL,),
        )(x_hbm, pe_hbm, o_hbm)

    return run(x, pe_weight)

# --- scband reference (transcript-rebuilt; emitter-appended) ---
"""Pipeline reference for scband-positional-embedding-16174846837243 (READ-ONLY COPY).

The authoritative reference and input builder live on the scoring server;
editing this copy changes nothing except your own understanding.
"""

import jax, jax.numpy as jnp
import numpy as np

CONTEXT_LENGTH = 2048
DIM_MODEL = 1024

def setup_inputs(seed: int = 0) -> dict:
    key = jax.random.key(seed)
    k_x, k_pe = jax.random.split(key)
    x = jax.random.normal(k_x, (4, 2048, 1024), dtype=jnp.float32)
    pe_weight = jax.random.normal(k_pe, (CONTEXT_LENGTH, DIM_MODEL), dtype=jnp.float32) * 0.02
    return {"x": x, "pe_weight": pe_weight}

def reference(x, pe_weight):
    # positions buffer: arange(context_length), sliced to seq_len
    seq_len = x.shape[1]
    positions = jnp.arange(CONTEXT_LENGTH)[:seq_len]
    # embedding lookup: gather rows of pe_weight by position index
    pos_emb = jnp.take(pe_weight, positions, axis=0)  # [S, D]
    # broadcast add over batch dim
    return x + pos_emb[None, :, :]

if __name__ == "__main__":
    import jax
    _d = setup_inputs()
    print(jax.jit(kernel)(*tuple(_d.values())))

</pallas_src>

<mosaic_0001>
#map = affine_map<(d0, d1) -> (0, 0, 0)>
#map1 = affine_map<(d0, d1) -> (0, 0)>
module attributes {stable_mosaic.version = 14 : i64} {
  func.func @run(%arg0: i32, %arg1: i32, %arg2: memref<4x2048x1024xf32, #tpu.memory_space<hbm>>, %arg3: memref<2048x1024xf32, #tpu.memory_space<hbm>>, %arg4: memref<4x2048x1024xf32, #tpu.memory_space<hbm>>) attributes {dimension_semantics = [#tpu.dimension_semantics<core_parallel>, #tpu.dimension_semantics<subcore_parallel>], iteration_bounds = array<i64: 2, 16>, scalar_prefetch = 0 : i64, scratch_operands = 0 : i64, tpu.core_type = #tpu.core_type<sc_vector_subcore>, window_params = [{transform_indices = #map}, {transform_indices = #map1}, {transform_indices = #map}]} {
    %mul3A = arith.constant 1 : i32
    %mul3A_0 = arith.muli %arg1, %mul3A : i32
    %add3A = arith.constant 0 : i32
    %add3A_1 = arith.addi %add3A, %mul3A_0 : i32
    %mul3A_2 = arith.constant 16 : i32
    %mul3A_3 = arith.muli %arg0, %mul3A_2 : i32
    %add3A_4 = arith.addi %add3A_1, %mul3A_3 : i32
    %mul3A_5 = arith.constant 32 : i32
    %mul3A_6 = arith.muli %add3A_4, %mul3A_5 : i32
    "tpu.region"() ({
      %run_scoped3A = memref.alloca() : memref<2x4x2x1024xf32, #tpu.memory_space<vmem>>
      %run_scoped3A_7 = tpu.sem_alloc : memref<2x!tpu.dma_semaphore, #tpu.memory_space<semaphore_mem>>
      %run_scoped3A_8 = memref.alloca() : memref<2x2x1024xf32, #tpu.memory_space<vmem>>
      %run_scoped3A_9 = tpu.sem_alloc : memref<2x!tpu.dma_semaphore, #tpu.memory_space<semaphore_mem>>
      %run_scoped3A_10 = memref.alloca() : memref<2x4x2x1024xf32, #tpu.memory_space<vmem>>
      %run_scoped3A_11 = tpu.sem_alloc : memref<2x!tpu.dma_semaphore, #tpu.memory_space<semaphore_mem>>
      %add3A_12 = arith.constant 0 : i32
      %add3A_13 = arith.addi %add3A_12, %mul3A_6 : i32
      %select_n3A = arith.constant true
      %select_n3A_14 = arith.constant 0 : i32
      %select_n3A_15 = arith.constant -1 : i32
      %select_n3A_16 = arith.select %select_n3A, %select_n3A_15, %select_n3A_14 : i32
      %eq3A = arith.constant -1 : i32
      %eq3A_17 = arith.cmpi eq, %select_n3A_16, %eq3A : i32
      %select_n3A_18 = arith.constant 31 : i32
      %select_n3A_19 = arith.select %eq3A_17, %select_n3A_18, %select_n3A_16 : i32
      %add3A_20 = arith.addi %select_n3A_19, %mul3A_6 : i32
      %select_n3A_21 = arith.constant true
      %select_n3A_22 = arith.constant 0 : i32
      %select_n3A_23 = arith.constant 1 : i32
      %select_n3A_24 = arith.select %select_n3A_21, %select_n3A_23, %select_n3A_22 : i32
      %eq3A_25 = arith.constant 32 : i32
      %eq3A_26 = arith.cmpi eq, %select_n3A_24, %eq3A_25 : i32
      %select_n3A_27 = arith.constant 0 : i32
      %select_n3A_28 = arith.select %eq3A_26, %select_n3A_27, %select_n3A_24 : i32
      %add3A_29 = arith.addi %select_n3A_28, %mul3A_6 : i32
      %add3A_30 = arith.constant 1 : i32
      %add3A_31 = arith.addi %select_n3A_28, %add3A_30 : i32
      %select_n3A_32 = arith.constant true
      %select_n3A_33 = arith.select %select_n3A_32, %add3A_31, %select_n3A_28 : i32
      %eq3A_34 = arith.constant 32 : i32
      %eq3A_35 = arith.cmpi eq, %select_n3A_33, %eq3A_34 : i32
      %select_n3A_36 = arith.constant 0 : i32
      %select_n3A_37 = arith.select %eq3A_35, %select_n3A_36, %select_n3A_33 : i32
      %add3A_38 = arith.addi %select_n3A_37, %mul3A_6 : i32
      "tpu.trace_start"() <{level = 10 : i32, message = "ep_initialize_0"}> : () -> ()
      %rem3A = arith.constant 0 : i32
      %rem3A_39 = arith.constant 2 : i32
      %rem3A_40 = arith.remui %rem3A, %rem3A_39 : i32
      %mul3A_41 = arith.constant 2 : i32
      %mul3A_42 = arith.muli %mul3A_41, %add3A_13 : i32
      %dma_start3A = arith.constant 0 : i32
      %dma_start3A_43 = arith.constant 0 : i32
      %dma_start3A_44 = arith.constant 0 : i32
      %dma_start3A_45 = tpu.memref_slice %run_scoped3A[%rem3A_40, %dma_start3A, %dma_start3A_43, %dma_start3A_44] : memref<2x4x2x1024xf32, #tpu.memory_space<vmem>> -> memref<1x4x2x1024xf32, #tpu.memory_space<vmem>>
      %dma_start3A_46 = tpu.memref_squeeze %dma_start3A_45 : memref<1x4x2x1024xf32, #tpu.memory_space<vmem>> -> memref<4x2x1024xf32, #tpu.memory_space<vmem>>
      %dma_start3A_47 = arith.constant 0 : i32
      %dma_start3A_48 = arith.constant 0 : i32
      %dma_start3A_49 = tpu.memref_slice %arg2[%dma_start3A_47, %mul3A_42, %dma_start3A_48] : memref<4x2048x1024xf32, #tpu.memory_space<hbm>> -> memref<4x2x1024xf32, #tpu.memory_space<hbm>>
      %dma_start3A_50 = tpu.memref_slice %run_scoped3A_7[%rem3A_40] : memref<2x!tpu.dma_semaphore, #tpu.memory_space<semaphore_mem>> -> memref<1x!tpu.dma_semaphore, #tpu.memory_space<semaphore_mem>>
      %dma_start3A_51 = tpu.memref_squeeze %dma_start3A_50 : memref<1x!tpu.dma_semaphore, #tpu.memory_space<semaphore_mem>> -> memref<!tpu.dma_semaphore, #tpu.memory_space<semaphore_mem>>
      %dma_start3A_52 = arith.constant 0 : i32
      %dma_start3A_53 = arith.constant 0 : i32
      %dma_start3A_54 = arith.constant 0 : i32
      %dma_start3A_55 = tpu.memref_slice %run_scoped3A[%rem3A_40, %dma_start3A_52, %dma_start3A_53, %dma_start3A_54] : memref<2x4x2x1024xf32, #tpu.memory_space<vmem>> -> memref<1x4x2x1024xf32, #tpu.memory_space<vmem>>
      %dma_start3A_56 = tpu.memref_squeeze %dma_start3A_55 : memref<1x4x2x1024xf32, #tpu.memory_space<vmem>> -> memref<4x2x1024xf32, #tpu.memory_space<vmem>>
      %dma_start3A_57 = arith.constant 0 : i32
      %dma_start3A_58 = arith.constant 0 : i32
      %dma_start3A_59 = tpu.memref_slice %arg2[%dma_start3A_57, %mul3A_42, %dma_start3A_58] : memref<4x2048x1024xf32, #tpu.memory_space<hbm>> -> memref<4x2x1024xf32, #tpu.memory_space<hbm>>
      tpu.enqueue_dma source(%dma_start3A_59 : memref<4x2x1024xf32, #tpu.memory_space<hbm>>) target(%dma_start3A_56 : memref<4x2x1024xf32, #tpu.memory_space<vmem>>) target_semaphore(%dma_start3A_51 : memref<!tpu.dma_semaphore, #tpu.memory_space<semaphore_mem>>)
      %add3A_60 = arith.constant 0 : i32
      %add3A_61 = arith.constant 1 : i32
      %add3A_62 = arith.addi %add3A_60, %add3A_61 : i32
      %select_n3A_63 = arith.constant true
      %select_n3A_64 = arith.constant 0 : i32
      %select_n3A_65 = arith.select %select_n3A_63, %add3A_62, %select_n3A_64 : i32
      %rem3A_66 = arith.constant 0 : i32
      %rem3A_67 = arith.constant 2 : i32
      %rem3A_68 = arith.remui %rem3A_66, %rem3A_67 : i32
      %mul3A_69 = arith.constant 2 : i32
      %mul3A_70 = arith.muli %mul3A_69, %add3A_13 : i32
      %dma_start3A_71 = arith.constant 0 : i32
      %dma_start3A_72 = arith.constant 0 : i32
      %dma_start3A_73 = tpu.memref_slice %run_scoped3A_8[%rem3A_68, %dma_start3A_71, %dma_start3A_72] : memref<2x2x1024xf32, #tpu.memory_space<vmem>> -> memref<1x2x1024xf32, #tpu.memory_space<vmem>>
      %dma_start3A_74 = tpu.memref_squeeze %dma_start3A_73 : memref<1x2x1024xf32, #tpu.memory_space<vmem>> -> memref<2x1024xf32, #tpu.memory_space<vmem>>
      %dma_start3A_75 = arith.constant 0 : i32
      %dma_start3A_76 = tpu.memref_slice %arg3[%mul3A_70, %dma_start3A_75] : memref<2048x1024xf32, #tpu.memory_space<hbm>> -> memref<2x1024xf32, #tpu.memory_space<hbm>>
      %dma_start3A_77 = tpu.memref_slice %run_scoped3A_9[%rem3A_68] : memref<2x!tpu.dma_semaphore, #tpu.memory_space<semaphore_mem>> -> memref<1x!tpu.dma_semaphore, #tpu.memory_space<semaphore_mem>>
      %dma_start3A_78 = tpu.memref_squeeze %dma_start3A_77 : memref<1x!tpu.dma_semaphore, #tpu.memory_space<semaphore_mem>> -> memref<!tpu.dma_semaphore, #tpu.memory_space<semaphore_mem>>
      %dma_start3A_79 = arith.constant 0 : i32
      %dma_start3A_80 = arith.constant 0 : i32
      %dma_start3A_81 = tpu.memref_slice %run_scoped3A_8[%rem3A_68, %dma_start3A_79, %dma_start3A_80] : memref<2x2x1024xf32, #tpu.memory_space<vmem>> -> memref<1x2x1024xf32, #tpu.memory_space<vmem>>
      %dma_start3A_82 = tpu.memref_squeeze %dma_start3A_81 : memref<1x2x1024xf32, #tpu.memory_space<vmem>> -> memref<2x1024xf32, #tpu.memory_space<vmem>>
      %dma_start3A_83 = arith.constant 0 : i32
      %dma_start3A_84 = tpu.memref_slice %arg3[%mul3A_70, %dma_start3A_83] : memref<2048x1024xf32, #tpu.memory_space<hbm>> -> memref<2x1024xf32, #tpu.memory_space<hbm>>
      tpu.enqueue_dma source(%dma_start3A_84 : memref<2x1024xf32, #tpu.memory_space<hbm>>) target(%dma_start3A_82 : memref<2x1024xf32, #tpu.memory_space<vmem>>) target_semaphore(%dma_start3A_78 : memref<!tpu.dma_semaphore, #tpu.memory_space<semaphore_mem>>)
      %add3A_85 = arith.constant 0 : i32
      %add3A_86 = arith.constant 1 : i32
      %add3A_87 = arith.addi %add3A_85, %add3A_86 : i32
      %select_n3A_88 = arith.constant true
      %select_n3A_89 = arith.constant 0 : i32
      %select_n3A_90 = arith.select %select_n3A_88, %add3A_87, %select_n3A_89 : i32
      "tpu.trace_stop"() : () -> ()
      %scan3A = arith.constant 0 : i32
      %scan3A_91 = arith.constant 0 : i32
      %scan3A_92 = arith.constant 0 : i32
      %scan3A_93 = arith.constant 0 : i32
      %scan3A_94 = arith.constant 0 : i32
      %scan3A_95 = arith.constant 0 : i32
      %scan3A_96 = arith.constant 32 : i32
      %scan3A_97 = arith.addi %scan3A_95, %scan3A_96 : i32
      %scan3A_98 = arith.constant 1 : i32
      %scan3A_99:7 = scf.for %scan3A_157 = %scan3A_95 to %scan3A_97 step %scan3A_98 iter_args(%scan3A_158 = %select_n3A_65, %scan3A_159 = %scan3A, %scan3A_160 = %select_n3A_90, %scan3A_161 = %scan3A_91, %scan3A_162 = %scan3A_92, %scan3A_163 = %scan3A_93, %scan3A_164 = %scan3A_94) -> (i32, i32, i32, i32, i32, i32, i32)  : i32 {
        %eq3A_165 = arith.constant 0 : i32
        %eq3A_166 = arith.cmpi eq, %scan3A_157, %eq3A_165 : i32
        %eq3A_167 = arith.constant 31 : i32
        %eq3A_168 = arith.cmpi eq, %scan3A_157, %eq3A_167 : i32
        %add3A_169 = arith.addi %scan3A_164, %mul3A_6 : i32
        %sub3A_170 = arith.constant 1 : i32
        %sub3A_171 = arith.subi %scan3A_164, %sub3A_170 : i32
        %select_n3A_172 = arith.constant true
        %select_n3A_173 = arith.select %select_n3A_172, %sub3A_171, %scan3A_164 : i32
        %eq3A_174 = arith.constant -1 : i32
        %eq3A_175 = arith.cmpi eq, %select_n3A_173, %eq3A_174 : i32
        %select_n3A_176 = arith.constant 31 : i32
        %select_n3A_177 = arith.select %eq3A_175, %select_n3A_176, %select_n3A_173 : i32
        %add3A_178 = arith.addi %select_n3A_177, %mul3A_6 : i32
        %add3A_179 = arith.constant 1 : i32
        %add3A_180 = arith.addi %scan3A_164, %add3A_179 : i32
        %select_n3A_181 = arith.constant true
        %select_n3A_182 = arith.select %select_n3A_181, %add3A_180, %scan3A_164 : i32
        %eq3A_183 = arith.constant 32 : i32
        %eq3A_184 = arith.cmpi eq, %select_n3A_182, %eq3A_183 : i32
        %select_n3A_185 = arith.constant 0 : i32
        %select_n3A_186 = arith.select %eq3A_184, %select_n3A_185, %select_n3A_182 : i32
        %add3A_187 = arith.addi %select_n3A_186, %mul3A_6 : i32
        %add3A_188 = arith.constant 1 : i32
        %add3A_189 = arith.addi %select_n3A_186, %add3A_188 : i32
        %select_n3A_190 = arith.constant true
        %select_n3A_191 = arith.select %select_n3A_190, %add3A_189, %select_n3A_186 : i32
        %eq3A_192 = arith.constant 32 : i32
        %eq3A_193 = arith.cmpi eq, %select_n3A_191, %eq3A_192 : i32
        %select_n3A_194 = arith.constant 0 : i32
        %select_n3A_195 = arith.select %eq3A_193, %select_n3A_194, %select_n3A_191 : i32
        %add3A_196 = arith.addi %select_n3A_195, %mul3A_6 : i32
        %ne3A = arith.cmpi ne, %add3A_169, %add3A_187 : i32
        %or3A = arith.constant false
        %or3A_197 = arith.ori %or3A, %ne3A : i1
        %or3A_198 = arith.constant false
        %or3A_199 = arith.ori %or3A_197, %or3A_198 : i1
        %ge3A = arith.constant 31 : i32
        %ge3A_200 = arith.cmpi sge, %scan3A_157, %ge3A : i32
        %not3A = arith.constant true
        %not3A_201 = arith.xori %ge3A_200, %not3A : i1
        %and3A = arith.andi %or3A_199, %not3A_201 : i1
        %convert_element_type3A = arith.extui %and3A : i1 to i32
        %cond3A = arith.constant 0 : i32
        %cond3A_202 = arith.cmpi ne, %convert_element_type3A, %cond3A : i32
        scf.if %cond3A_202 {
          "tpu.trace_start"() <{level = 10 : i32, message = "ep_copy_in"}> : () -> ()
          %rem3A_375 = arith.constant 2 : i32
          %rem3A_376 = arith.remui %scan3A_158, %rem3A_375 : i32
          %mul3A_377 = arith.constant 2 : i32
          %mul3A_378 = arith.muli %mul3A_377, %add3A_187 : i32
          %dma_start3A_379 = arith.constant 0 : i32
          %dma_start3A_380 = arith.constant 0 : i32
          %dma_start3A_381 = arith.constant 0 : i32
          %dma_start3A_382 = tpu.memref_slice %run_scoped3A[%rem3A_376, %dma_start3A_379, %dma_start3A_380, %dma_start3A_381] : memref<2x4x2x1024xf32, #tpu.memory_space<vmem>> -> memref<1x4x2x1024xf32, #tpu.memory_space<vmem>>
          %dma_start3A_383 = tpu.memref_squeeze %dma_start3A_382 : memref<1x4x2x1024xf32, #tpu.memory_space<vmem>> -> memref<4x2x1024xf32, #tpu.memory_space<vmem>>
          %dma_start3A_384 = arith.constant 0 : i32
          %dma_start3A_385 = arith.constant 0 : i32
          %dma_start3A_386 = tpu.memref_slice %arg2[%dma_start3A_384, %mul3A_378, %dma_start3A_385] : memref<4x2048x1024xf32, #tpu.memory_space<hbm>> -> memref<4x2x1024xf32, #tpu.memory_space<hbm>>
          %dma_start3A_387 = tpu.memref_slice %run_scoped3A_7[%rem3A_376] : memref<2x!tpu.dma_semaphore, #tpu.memory_space<semaphore_mem>> -> memref<1x!tpu.dma_semaphore, #tpu.memory_space<semaphore_mem>>
          %dma_start3A_388 = tpu.memref_squeeze %dma_start3A_387 : memref<1x!tpu.dma_semaphore, #tpu.memory_space<semaphore_mem>> -> memref<!tpu.dma_semaphore, #tpu.memory_space<semaphore_mem>>
          %dma_start3A_389 = arith.constant 0 : i32
          %dma_start3A_390 = arith.constant 0 : i32
          %dma_start3A_391 = arith.constant 0 : i32
          %dma_start3A_392 = tpu.memref_slice %run_scoped3A[%rem3A_376, %dma_start3A_389, %dma_start3A_390, %dma_start3A_391] : memref<2x4x2x1024xf32, #tpu.memory_space<vmem>> -> memref<1x4x2x1024xf32, #tpu.memory_space<vmem>>
          %dma_start3A_393 = tpu.memref_squeeze %dma_start3A_392 : memref<1x4x2x1024xf32, #tpu.memory_space<vmem>> -> memref<4x2x1024xf32, #tpu.memory_space<vmem>>
          %dma_start3A_394 = arith.constant 0 : i32
          %dma_start3A_395 = arith.constant 0 : i32
          %dma_start3A_396 = tpu.memref_slice %arg2[%dma_start3A_394, %mul3A_378, %dma_start3A_395] : memref<4x2048x1024xf32, #tpu.memory_space<hbm>> -> memref<4x2x1024xf32, #tpu.memory_space<hbm>>
          tpu.enqueue_dma source(%dma_start3A_396 : memref<4x2x1024xf32, #tpu.memory_space<hbm>>) target(%dma_start3A_393 : memref<4x2x1024xf32, #tpu.memory_space<vmem>>) target_semaphore(%dma_start3A_388 : memref<!tpu.dma_semaphore, #tpu.memory_space<semaphore_mem>>)
          "tpu.trace_stop"() : () -> ()
        } else {
        }
        %and3A_203 = arith.constant true
        %and3A_204 = arith.andi %and3A, %and3A_203 : i1
        %add3A_205 = arith.constant 1 : i32
        %add3A_206 = arith.addi %scan3A_158, %add3A_205 : i32
        %select_n3A_207 = arith.select %and3A_204, %add3A_206, %scan3A_158 : i32
        %ne3A_208 = arith.cmpi ne, %add3A_169, %add3A_187 : i32
        %or3A_209 = arith.constant false
        %or3A_210 = arith.ori %or3A_209, %ne3A_208 : i1
        %or3A_211 = arith.constant false
        %or3A_212 = arith.ori %or3A_210, %or3A_211 : i1
        %ge3A_213 = arith.constant 31 : i32
        %ge3A_214 = arith.cmpi sge, %scan3A_157, %ge3A_213 : i32
        %not3A_215 = arith.constant true
        %not3A_216 = arith.xori %ge3A_214, %not3A_215 : i1
        %and3A_217 = arith.andi %or3A_212, %not3A_216 : i1
        %convert_element_type3A_218 = arith.extui %and3A_217 : i1 to i32
        %cond3A_219 = arith.constant 0 : i32
        %cond3A_220 = arith.cmpi ne, %convert_element_type3A_218, %cond3A_219 : i32
        scf.if %cond3A_220 {
          "tpu.trace_start"() <{level = 10 : i32, message = "ep_copy_in"}> : () -> ()
          %rem3A_375 = arith.constant 2 : i32
          %rem3A_376 = arith.remui %scan3A_160, %rem3A_375 : i32
          %mul3A_377 = arith.constant 2 : i32
          %mul3A_378 = arith.muli %mul3A_377, %add3A_187 : i32
          %dma_start3A_379 = arith.constant 0 : i32
          %dma_start3A_380 = arith.constant 0 : i32
          %dma_start3A_381 = tpu.memref_slice %run_scoped3A_8[%rem3A_376, %dma_start3A_379, %dma_start3A_380] : memref<2x2x1024xf32, #tpu.memory_space<vmem>> -> memref<1x2x1024xf32, #tpu.memory_space<vmem>>
          %dma_start3A_382 = tpu.memref_squeeze %dma_start3A_381 : memref<1x2x1024xf32, #tpu.memory_space<vmem>> -> memref<2x1024xf32, #tpu.memory_space<vmem>>
          %dma_start3A_383 = arith.constant 0 : i32
          %dma_start3A_384 = tpu.memref_slice %arg3[%mul3A_378, %dma_start3A_383] : memref<2048x1024xf32, #tpu.memory_space<hbm>> -> memref<2x1024xf32, #tpu.memory_space<hbm>>
          %dma_start3A_385 = tpu.memref_slice %run_scoped3A_9[%rem3A_376] : memref<2x!tpu.dma_semaphore, #tpu.memory_space<semaphore_mem>> -> memref<1x!tpu.dma_semaphore, #tpu.memory_space<semaphore_mem>>
          %dma_start3A_386 = tpu.memref_squeeze %dma_start3A_385 : memref<1x!tpu.dma_semaphore, #tpu.memory_space<semaphore_mem>> -> memref<!tpu.dma_semaphore, #tpu.memory_space<semaphore_mem>>
          %dma_start3A_387 = arith.constant 0 : i32
          %dma_start3A_388 = arith.constant 0 : i32
          %dma_start3A_389 = tpu.memref_slice %run_scoped3A_8[%rem3A_376, %dma_start3A_387, %dma_start3A_388] : memref<2x2x1024xf32, #tpu.memory_space<vmem>> -> memref<1x2x1024xf32, #tpu.memory_space<vmem>>
          %dma_start3A_390 = tpu.memref_squeeze %dma_start3A_389 : memref<1x2x1024xf32, #tpu.memory_space<vmem>> -> memref<2x1024xf32, #tpu.memory_space<vmem>>
          %dma_start3A_391 = arith.constant 0 : i32
          %dma_start3A_392 = tpu.memref_slice %arg3[%mul3A_378, %dma_start3A_391] : memref<2048x1024xf32, #tpu.memory_space<hbm>> -> memref<2x1024xf32, #tpu.memory_space<hbm>>
          tpu.enqueue_dma source(%dma_start3A_392 : memref<2x1024xf32, #tpu.memory_space<hbm>>) target(%dma_start3A_390 : memref<2x1024xf32, #tpu.memory_space<vmem>>) target_semaphore(%dma_start3A_386 : memref<!tpu.dma_semaphore, #tpu.memory_space<semaphore_mem>>)
          "tpu.trace_stop"() : () -> ()
        } else {
        }
        %and3A_221 = arith.constant true
        %and3A_222 = arith.andi %and3A_217, %and3A_221 : i1
        %add3A_223 = arith.constant 1 : i32
        %add3A_224 = arith.addi %scan3A_160, %add3A_223 : i32
        %select_n3A_225 = arith.select %and3A_222, %add3A_224, %scan3A_160 : i32
        %ne3A_226 = arith.cmpi ne, %add3A_169, %add3A_187 : i32
        %or3A_227 = arith.constant false
        %or3A_228 = arith.ori %or3A_227, %ne3A_226 : i1
        %or3A_229 = arith.constant false
        %or3A_230 = arith.ori %or3A_228, %or3A_229 : i1
        %ge3A_231 = arith.constant 31 : i32
        %ge3A_232 = arith.cmpi sge, %scan3A_157, %ge3A_231 : i32
        %not3A_233 = arith.constant true
        %not3A_234 = arith.xori %ge3A_232, %not3A_233 : i1
        %and3A_235 = arith.andi %or3A_230, %not3A_234 : i1
        %ne3A_236 = arith.cmpi ne, %add3A_169, %add3A_178 : i32
        %or3A_237 = arith.constant false
        %or3A_238 = arith.ori %or3A_237, %ne3A_236 : i1
        %or3A_239 = arith.constant false
        %or3A_240 = arith.ori %or3A_238, %or3A_239 : i1
        %or3A_241 = arith.ori %or3A_240, %eq3A_166 : i1
        %convert_element_type3A_242 = arith.extui %or3A_241 : i1 to i32
        %cond3A_243 = arith.constant 0 : i32
        %cond3A_244 = arith.cmpi ne, %convert_element_type3A_242, %cond3A_243 : i32
        scf.if %cond3A_244 {
          "tpu.trace_start"() <{level = 10 : i32, message = "ep_wait_in"}> : () -> ()
          %mul3A_375 = arith.constant 2 : i32
          %mul3A_376 = arith.muli %mul3A_375, %add3A_169 : i32
          %rem3A_377 = arith.constant 2 : i32
          %rem3A_378 = arith.remui %scan3A_159, %rem3A_377 : i32
          %dma_wait3A_379 = arith.constant 0 : i32
          %dma_wait3A_380 = arith.constant 0 : i32
          %dma_wait3A_381 = arith.constant 0 : i32
          %dma_wait3A_382 = tpu.memref_slice %run_scoped3A[%rem3A_378, %dma_wait3A_379, %dma_wait3A_380, %dma_wait3A_381] : memref<2x4x2x1024xf32, #tpu.memory_space<vmem>> -> memref<1x4x2x1024xf32, #tpu.memory_space<vmem>>
          %dma_wait3A_383 = tpu.memref_squeeze %dma_wait3A_382 : memref<1x4x2x1024xf32, #tpu.memory_space<vmem>> -> memref<4x2x1024xf32, #tpu.memory_space<vmem>>
          %dma_wait3A_384 = arith.constant 0 : i32
          %dma_wait3A_385 = arith.constant 0 : i32
          %dma_wait3A_386 = tpu.memref_slice %arg2[%dma_wait3A_384, %mul3A_376, %dma_wait3A_385] : memref<4x2048x1024xf32, #tpu.memory_space<hbm>> -> memref<4x2x1024xf32, #tpu.memory_space<hbm>>
          %dma_wait3A_387 = tpu.memref_slice %run_scoped3A_7[%rem3A_378] : memref<2x!tpu.dma_semaphore, #tpu.memory_space<semaphore_mem>> -> memref<1x!tpu.dma_semaphore, #tpu.memory_space<semaphore_mem>>
          %dma_wait3A_388 = tpu.memref_squeeze %dma_wait3A_387 : memref<1x!tpu.dma_semaphore, #tpu.memory_space<semaphore_mem>> -> memref<!tpu.dma_semaphore, #tpu.memory_space<semaphore_mem>>
          %dma_wait3A_389 = arith.constant 0 : i32
          %dma_wait3A_390 = arith.constant 0 : i32
          %dma_wait3A_391 = arith.constant 0 : i32
          %dma_wait3A_392 = tpu.memref_slice %run_scoped3A[%rem3A_378, %dma_wait3A_389, %dma_wait3A_390, %dma_wait3A_391] : memref<2x4x2x1024xf32, #tpu.memory_space<vmem>> -> memref<1x4x2x1024xf32, #tpu.memory_space<vmem>>
          %dma_wait3A_393 = tpu.memref_squeeze %dma_wait3A_392 : memref<1x4x2x1024xf32, #tpu.memory_space<vmem>> -> memref<4x2x1024xf32, #tpu.memory_space<vmem>>
          %dma_wait3A_394 = arith.constant 0 : i32
          %dma_wait3A_395 = arith.constant 0 : i32
          %dma_wait3A_396 = tpu.memref_slice %arg2[%dma_wait3A_394, %mul3A_376, %dma_wait3A_395] : memref<4x2048x1024xf32, #tpu.memory_space<hbm>> -> memref<4x2x1024xf32, #tpu.memory_space<hbm>>
          tpu.wait_dma2 semaphore(%dma_wait3A_388 : memref<!tpu.dma_semaphore, #tpu.memory_space<semaphore_mem>>) src(%dma_wait3A_396 : memref<4x2x1024xf32, #tpu.memory_space<hbm>>) dst(%dma_wait3A_393 : memref<4x2x1024xf32, #tpu.memory_space<vmem>>)
          "tpu.trace_stop"() : () -> ()
        } else {
        }
        %ne3A_245 = arith.cmpi ne, %add3A_169, %add3A_178 : i32
        %or3A_246 = arith.constant false
        %or3A_247 = arith.ori %or3A_246, %ne3A_245 : i1
        %or3A_248 = arith.constant false
        %or3A_249 = arith.ori %or3A_247, %or3A_248 : i1
        %or3A_250 = arith.ori %or3A_249, %eq3A_166 : i1
        %convert_element_type3A_251 = arith.extui %or3A_250 : i1 to i32
        %cond3A_252 = arith.constant 0 : i32
        %cond3A_253 = arith.cmpi ne, %convert_element_type3A_251, %cond3A_252 : i32
        scf.if %cond3A_253 {
          "tpu.trace_start"() <{level = 10 : i32, message = "ep_wait_in"}> : () -> ()
          %mul3A_375 = arith.constant 2 : i32
          %mul3A_376 = arith.muli %mul3A_375, %add3A_169 : i32
          %rem3A_377 = arith.constant 2 : i32
          %rem3A_378 = arith.remui %scan3A_161, %rem3A_377 : i32
          %dma_wait3A_379 = arith.constant 0 : i32
          %dma_wait3A_380 = arith.constant 0 : i32
          %dma_wait3A_381 = tpu.memref_slice %run_scoped3A_8[%rem3A_378, %dma_wait3A_379, %dma_wait3A_380] : memref<2x2x1024xf32, #tpu.memory_space<vmem>> -> memref<1x2x1024xf32, #tpu.memory_space<vmem>>
          %dma_wait3A_382 = tpu.memref_squeeze %dma_wait3A_381 : memref<1x2x1024xf32, #tpu.memory_space<vmem>> -> memref<2x1024xf32, #tpu.memory_space<vmem>>
          %dma_wait3A_383 = arith.constant 0 : i32
          %dma_wait3A_384 = tpu.memref_slice %arg3[%mul3A_376, %dma_wait3A_383] : memref<2048x1024xf32, #tpu.memory_space<hbm>> -> memref<2x1024xf32, #tpu.memory_space<hbm>>
          %dma_wait3A_385 = tpu.memref_slice %run_scoped3A_9[%rem3A_378] : memref<2x!tpu.dma_semaphore, #tpu.memory_space<semaphore_mem>> -> memref<1x!tpu.dma_semaphore, #tpu.memory_space<semaphore_mem>>
          %dma_wait3A_386 = tpu.memref_squeeze %dma_wait3A_385 : memref<1x!tpu.dma_semaphore, #tpu.memory_space<semaphore_mem>> -> memref<!tpu.dma_semaphore, #tpu.memory_space<semaphore_mem>>
          %dma_wait3A_387 = arith.constant 0 : i32
          %dma_wait3A_388 = arith.constant 0 : i32
          %dma_wait3A_389 = tpu.memref_slice %run_scoped3A_8[%rem3A_378, %dma_wait3A_387, %dma_wait3A_388] : memref<2x2x1024xf32, #tpu.memory_space<vmem>> -> memref<1x2x1024xf32, #tpu.memory_space<vmem>>
          %dma_wait3A_390 = tpu.memref_squeeze %dma_wait3A_389 : memref<1x2x1024xf32, #tpu.memory_space<vmem>> -> memref<2x1024xf32, #tpu.memory_space<vmem>>
          %dma_wait3A_391 = arith.constant 0 : i32
          %dma_wait3A_392 = tpu.memref_slice %arg3[%mul3A_376, %dma_wait3A_391] : memref<2048x1024xf32, #tpu.memory_space<hbm>> -> memref<2x1024xf32, #tpu.memory_space<hbm>>
          tpu.wait_dma2 semaphore(%dma_wait3A_386 : memref<!tpu.dma_semaphore, #tpu.memory_space<semaphore_mem>>) src(%dma_wait3A_392 : memref<2x1024xf32, #tpu.memory_space<hbm>>) dst(%dma_wait3A_390 : memref<2x1024xf32, #tpu.memory_space<vmem>>)
          "tpu.trace_stop"() : () -> ()
        } else {
        }
        %ne3A_254 = arith.cmpi ne, %add3A_169, %add3A_178 : i32
        %or3A_255 = arith.constant false
        %or3A_256 = arith.ori %or3A_255, %ne3A_254 : i1
        %or3A_257 = arith.constant false
        %or3A_258 = arith.ori %or3A_256, %or3A_257 : i1
        %or3A_259 = arith.ori %or3A_258, %eq3A_166 : i1
        %convert_element_type3A_260 = arith.extui %or3A_259 : i1 to i32
        %cond3A_261 = arith.constant 0 : i32
        %cond3A_262 = arith.cmpi ne, %convert_element_type3A_260, %cond3A_261 : i32
        scf.if %cond3A_262 {
        } else {
        }
        %rem3A_263 = arith.constant 2 : i32
        %rem3A_264 = arith.remui %scan3A_159, %rem3A_263 : i32
        %rem3A_265 = arith.constant 2 : i32
        %rem3A_266 = arith.remui %scan3A_161, %rem3A_265 : i32
        %rem3A_267 = arith.constant 2 : i32
        %rem3A_268 = arith.remui %scan3A_162, %rem3A_267 : i32
        %parallel_loop3A = arith.constant 0 : i32
        %parallel_loop3A_269 = arith.constant 1024 : i32
        %parallel_loop3A_270 = arith.constant 16 : i32
        "tpu.trace_start"() <{level = 10 : i32, message = "ep_run_kernel"}> : () -> ()
        scf.for %parallel_loop3A_375 = %parallel_loop3A to %parallel_loop3A_269 step %parallel_loop3A_270  : i32 {
          %parallel_loop3A_376 = arith.constant 0 : i32
          %parallel_loop3A_377 = arith.constant 0 : i32
          %parallel_loop3A_378 = tpu.memref_slice %run_scoped3A_8[%rem3A_266, %parallel_loop3A_376, %parallel_loop3A_377] : memref<2x2x1024xf32, #tpu.memory_space<vmem>> -> memref<1x2x1024xf32, #tpu.memory_space<vmem>>
          %parallel_loop3A_379 = tpu.memref_squeeze %parallel_loop3A_378 : memref<1x2x1024xf32, #tpu.memory_space<vmem>> -> memref<2x1024xf32, #tpu.memory_space<vmem>>
          %parallel_loop3A_380 = arith.constant 0 : index
          %parallel_loop3A_381 = arith.index_cast %parallel_loop3A_375 : i32 to index
          %parallel_loop3A_382 = tpu.vector_load %parallel_loop3A_379[%parallel_loop3A_380, %parallel_loop3A_381] {strides = array<i32>} : memref<2x1024xf32, #tpu.memory_space<vmem>>, vector<1x16xf32>,
          %parallel_loop3A_383 = vector.shape_cast %parallel_loop3A_382 : vector<1x16xf32> to vector<1x16xf32>
          %parallel_loop3A_384 = arith.constant 0 : i32
          %parallel_loop3A_385 = arith.constant 0 : i32
          %parallel_loop3A_386 = arith.constant 0 : i32
          %parallel_loop3A_387 = arith.constant 0 : i32
          %parallel_loop3A_388 = tpu.memref_slice %run_scoped3A[%rem3A_264, %parallel_loop3A_385, %parallel_loop3A_386, %parallel_loop3A_387] : memref<2x4x2x1024xf32, #tpu.memory_space<vmem>> -> memref<1x4x2x1024xf32, #tpu.memory_space<vmem>>
          %parallel_loop3A_389 = tpu.memref_squeeze %parallel_loop3A_388 : memref<1x4x2x1024xf32, #tpu.memory_space<vmem>> -> memref<4x2x1024xf32, #tpu.memory_space<vmem>>
          %parallel_loop3A_390 = arith.constant 0 : i32
          %parallel_loop3A_391 = arith.constant 0 : i32
          %parallel_loop3A_392 = tpu.memref_slice %parallel_loop3A_389[%parallel_loop3A_384, %parallel_loop3A_390, %parallel_loop3A_391] : memref<4x2x1024xf32, #tpu.memory_space<vmem>> -> memref<1x2x1024xf32, #tpu.memory_space<vmem>>
          %parallel_loop3A_393 = tpu.memref_squeeze %parallel_loop3A_392 : memref<1x2x1024xf32, #tpu.memory_space<vmem>> -> memref<2x1024xf32, #tpu.memory_space<vmem>>
          %parallel_loop3A_394 = arith.constant 0 : index
          %parallel_loop3A_395 = arith.index_cast %parallel_loop3A_375 : i32 to index
          %parallel_loop3A_396 = tpu.vector_load %parallel_loop3A_393[%parallel_loop3A_394, %parallel_loop3A_395] {strides = array<i32>} : memref<2x1024xf32, #tpu.memory_space<vmem>>, vector<1x16xf32>,
          %parallel_loop3A_397 = vector.shape_cast %parallel_loop3A_396 : vector<1x16xf32> to vector<1x16xf32>
          %parallel_loop3A_398 = arith.addf %parallel_loop3A_397, %parallel_loop3A_383 : vector<1x16xf32>
          %parallel_loop3A_399 = arith.constant 0 : i32
          %parallel_loop3A_400 = arith.constant 0 : i32
          %parallel_loop3A_401 = arith.constant 0 : i32
          %parallel_loop3A_402 = arith.constant 0 : i32
          %parallel_loop3A_403 = tpu.memref_slice %run_scoped3A_10[%rem3A_268, %parallel_loop3A_400, %parallel_loop3A_401, %parallel_loop3A_402] : memref<2x4x2x1024xf32, #tpu.memory_space<vmem>> -> memref<1x4x2x1024xf32, #tpu.memory_space<vmem>>
          %parallel_loop3A_404 = tpu.memref_squeeze %parallel_loop3A_403 : memref<1x4x2x1024xf32, #tpu.memory_space<vmem>> -> memref<4x2x1024xf32, #tpu.memory_space<vmem>>
          %parallel_loop3A_405 = arith.constant 0 : i32
          %parallel_loop3A_406 = arith.constant 0 : i32
          %parallel_loop3A_407 = tpu.memref_slice %parallel_loop3A_404[%parallel_loop3A_399, %parallel_loop3A_405, %parallel_loop3A_406] : memref<4x2x1024xf32, #tpu.memory_space<vmem>> -> memref<1x2x1024xf32, #tpu.memory_space<vmem>>
          %parallel_loop3A_408 = tpu.memref_squeeze %parallel_loop3A_407 : memref<1x2x1024xf32, #tpu.memory_space<vmem>> -> memref<2x1024xf32, #tpu.memory_space<vmem>>
          %parallel_loop3A_409 = arith.constant 0 : index
          %parallel_loop3A_410 = arith.index_cast %parallel_loop3A_375 : i32 to index
          %parallel_loop3A_411 = tpu.vector_load %parallel_loop3A_408[%parallel_loop3A_409, %parallel_loop3A_410] {strides = array<i32>} : memref<2x1024xf32, #tpu.memory_space<vmem>>, vector<1x16xf32>,
          %parallel_loop3A_412 = vector.shape_cast %parallel_loop3A_411 : vector<1x16xf32> to vector<1x16xf32>
          %parallel_loop3A_413 = vector.shape_cast %parallel_loop3A_398 : vector<1x16xf32> to vector<1x16xf32>
          tpu.vector_store %parallel_loop3A_408[%parallel_loop3A_409, %parallel_loop3A_410], %parallel_loop3A_413 {strides = array<i32>} : memref<2x1024xf32, #tpu.memory_space<vmem>>, vector<1x16xf32>,
          %parallel_loop3A_414 = arith.constant 1 : i32
          %parallel_loop3A_415 = arith.constant 0 : i32
          %parallel_loop3A_416 = arith.constant 0 : i32
          %parallel_loop3A_417 = arith.constant 0 : i32
          %parallel_loop3A_418 = tpu.memref_slice %run_scoped3A[%rem3A_264, %parallel_loop3A_415, %parallel_loop3A_416, %parallel_loop3A_417] : memref<2x4x2x1024xf32, #tpu.memory_space<vmem>> -> memref<1x4x2x1024xf32, #tpu.memory_space<vmem>>
          %parallel_loop3A_419 = tpu.memref_squeeze %parallel_loop3A_418 : memref<1x4x2x1024xf32, #tpu.memory_space<vmem>> -> memref<4x2x1024xf32, #tpu.memory_space<vmem>>
          %parallel_loop3A_420 = arith.constant 0 : i32
          %parallel_loop3A_421 = arith.constant 0 : i32
          %parallel_loop3A_422 = tpu.memref_slice %parallel_loop3A_419[%parallel_loop3A_414, %parallel_loop3A_420, %parallel_loop3A_421] : memref<4x2x1024xf32, #tpu.memory_space<vmem>> -> memref<1x2x1024xf32, #tpu.memory_space<vmem>>
          %parallel_loop3A_423 = tpu.memref_squeeze %parallel_loop3A_422 : memref<1x2x1024xf32, #tpu.memory_space<vmem>> -> memref<2x1024xf32, #tpu.memory_space<vmem>>
          %parallel_loop3A_424 = arith.constant 0 : index
          %parallel_loop3A_425 = arith.index_cast %parallel_loop3A_375 : i32 to index
          %parallel_loop3A_426 = tpu.vector_load %parallel_loop3A_423[%parallel_loop3A_424, %parallel_loop3A_425] {strides = array<i32>} : memref<2x1024xf32, #tpu.memory_space<vmem>>, vector<1x16xf32>,
          %parallel_loop3A_427 = vector.shape_cast %parallel_loop3A_426 : vector<1x16xf32> to vector<1x16xf32>
          %parallel_loop3A_428 = arith.addf %parallel_loop3A_427, %parallel_loop3A_383 : vector<1x16xf32>
          %parallel_loop3A_429 = arith.constant 1 : i32
          %parallel_loop3A_430 = arith.constant 0 : i32
          %parallel_loop3A_431 = arith.constant 0 : i32
          %parallel_loop3A_432 = arith.constant 0 : i32
          %parallel_loop3A_433 = tpu.memref_slice %run_scoped3A_10[%rem3A_268, %parallel_loop3A_430, %parallel_loop3A_431, %parallel_loop3A_432] : memref<2x4x2x1024xf32, #tpu.memory_space<vmem>> -> memref<1x4x2x1024xf32, #tpu.memory_space<vmem>>
          %parallel_loop3A_434 = tpu.memref_squeeze %parallel_loop3A_433 : memref<1x4x2x1024xf32, #tpu.memory_space<vmem>> -> memref<4x2x1024xf32, #tpu.memory_space<vmem>>
          %parallel_loop3A_435 = arith.constant 0 : i32
          %parallel_loop3A_436 = arith.constant 0 : i32
          %parallel_loop3A_437 = tpu.memref_slice %parallel_loop3A_434[%parallel_loop3A_429, %parallel_loop3A_435, %parallel_loop3A_436] : memref<4x2x1024xf32, #tpu.memory_space<vmem>> -> memref<1x2x1024xf32, #tpu.memory_space<vmem>>
          %parallel_loop3A_438 = tpu.memref_squeeze %parallel_loop3A_437 : memref<1x2x1024xf32, #tpu.memory_space<vmem>> -> memref<2x1024xf32, #tpu.memory_space<vmem>>
          %parallel_loop3A_439 = arith.constant 0 : index
          %parallel_loop3A_440 = arith.index_cast %parallel_loop3A_375 : i32 to index
          %parallel_loop3A_441 = tpu.vector_load %parallel_loop3A_438[%parallel_loop3A_439, %parallel_loop3A_440] {strides = array<i32>} : memref<2x1024xf32, #tpu.memory_space<vmem>>, vector<1x16xf32>,
          %parallel_loop3A_442 = vector.shape_cast %parallel_loop3A_441 : vector<1x16xf32> to vector<1x16xf32>
          %parallel_loop3A_443 = vector.shape_cast %parallel_loop3A_428 : vector<1x16xf32> to vector<1x16xf32>
          tpu.vector_store %parallel_loop3A_438[%parallel_loop3A_439, %parallel_loop3A_440], %parallel_loop3A_443 {strides = array<i32>} : memref<2x1024xf32, #tpu.memory_space<vmem>>, vector<1x16xf32>,
          %parallel_loop3A_444 = arith.constant 2 : i32
          %parallel_loop3A_445 = arith.constant 0 : i32
          %parallel_loop3A_446 = arith.constant 0 : i32
          %parallel_loop3A_447 = arith.constant 0 : i32
          %parallel_loop3A_448 = tpu.memref_slice %run_scoped3A[%rem3A_264, %parallel_loop3A_445, %parallel_loop3A_446, %parallel_loop3A_447] : memref<2x4x2x1024xf32, #tpu.memory_space<vmem>> -> memref<1x4x2x1024xf32, #tpu.memory_space<vmem>>
          %parallel_loop3A_449 = tpu.memref_squeeze %parallel_loop3A_448 : memref<1x4x2x1024xf32, #tpu.memory_space<vmem>> -> memref<4x2x1024xf32, #tpu.memory_space<vmem>>
          %parallel_loop3A_450 = arith.constant 0 : i32
          %parallel_loop3A_451 = arith.constant 0 : i32
          %parallel_loop3A_452 = tpu.memref_slice %parallel_loop3A_449[%parallel_loop3A_444, %parallel_loop3A_450, %parallel_loop3A_451] : memref<4x2x1024xf32, #tpu.memory_space<vmem>> -> memref<1x2x1024xf32, #tpu.memory_space<vmem>>
          %parallel_loop3A_453 = tpu.memref_squeeze %parallel_loop3A_452 : memref<1x2x1024xf32, #tpu.memory_space<vmem>> -> memref<2x1024xf32, #tpu.memory_space<vmem>>
          %parallel_loop3A_454 = arith.constant 0 : index
          %parallel_loop3A_455 = arith.index_cast %parallel_loop3A_375 : i32 to index
          %parallel_loop3A_456 = tpu.vector_load %parallel_loop3A_453[%parallel_loop3A_454, %parallel_loop3A_455] {strides = array<i32>} : memref<2x1024xf32, #tpu.memory_space<vmem>>, vector<1x16xf32>,
          %parallel_loop3A_457 = vector.shape_cast %parallel_loop3A_456 : vector<1x16xf32> to vector<1x16xf32>
          %parallel_loop3A_458 = arith.addf %parallel_loop3A_457, %parallel_loop3A_383 : vector<1x16xf32>
          %parallel_loop3A_459 = arith.constant 2 : i32
          %parallel_loop3A_460 = arith.constant 0 : i32
          %parallel_loop3A_461 = arith.constant 0 : i32
          %parallel_loop3A_462 = arith.constant 0 : i32
          %parallel_loop3A_463 = tpu.memref_slice %run_scoped3A_10[%rem3A_268, %parallel_loop3A_460, %parallel_loop3A_461, %parallel_loop3A_462] : memref<2x4x2x1024xf32, #tpu.memory_space<vmem>> -> memref<1x4x2x1024xf32, #tpu.memory_space<vmem>>
          %parallel_loop3A_464 = tpu.memref_squeeze %parallel_loop3A_463 : memref<1x4x2x1024xf32, #tpu.memory_space<vmem>> -> memref<4x2x1024xf32, #tpu.memory_space<vmem>>
          %parallel_loop3A_465 = arith.constant 0 : i32
          %parallel_loop3A_466 = arith.constant 0 : i32
          %parallel_loop3A_467 = tpu.memref_slice %parallel_loop3A_464[%parallel_loop3A_459, %parallel_loop3A_465, %parallel_loop3A_466] : memref<4x2x1024xf32, #tpu.memory_space<vmem>> -> memref<1x2x1024xf32, #tpu.memory_space<vmem>>
          %parallel_loop3A_468 = tpu.memref_squeeze %parallel_loop3A_467 : memref<1x2x1024xf32, #tpu.memory_space<vmem>> -> memref<2x1024xf32, #tpu.memory_space<vmem>>
          %parallel_loop3A_469 = arith.constant 0 : index
          %parallel_loop3A_470 = arith.index_cast %parallel_loop3A_375 : i32 to index
          %parallel_loop3A_471 = tpu.vector_load %parallel_loop3A_468[%parallel_loop3A_469, %parallel_loop3A_470] {strides = array<i32>} : memref<2x1024xf32, #tpu.memory_space<vmem>>, vector<1x16xf32>,
          %parallel_loop3A_472 = vector.shape_cast %parallel_loop3A_471 : vector<1x16xf32> to vector<1x16xf32>
          %parallel_loop3A_473 = vector.shape_cast %parallel_loop3A_458 : vector<1x16xf32> to vector<1x16xf32>
          tpu.vector_store %parallel_loop3A_468[%parallel_loop3A_469, %parallel_loop3A_470], %parallel_loop3A_473 {strides = array<i32>} : memref<2x1024xf32, #tpu.memory_space<vmem>>, vector<1x16xf32>,
          %parallel_loop3A_474 = arith.constant 3 : i32
          %parallel_loop3A_475 = arith.constant 0 : i32
          %parallel_loop3A_476 = arith.constant 0 : i32
          %parallel_loop3A_477 = arith.constant 0 : i32
          %parallel_loop3A_478 = tpu.memref_slice %run_scoped3A[%rem3A_264, %parallel_loop3A_475, %parallel_loop3A_476, %parallel_loop3A_477] : memref<2x4x2x1024xf32, #tpu.memory_space<vmem>> -> memref<1x4x2x1024xf32, #tpu.memory_space<vmem>>
          %parallel_loop3A_479 = tpu.memref_squeeze %parallel_loop3A_478 : memref<1x4x2x1024xf32, #tpu.memory_space<vmem>> -> memref<4x2x1024xf32, #tpu.memory_space<vmem>>
          %parallel_loop3A_480 = arith.constant 0 : i32
          %parallel_loop3A_481 = arith.constant 0 : i32
          %parallel_loop3A_482 = tpu.memref_slice %parallel_loop3A_479[%parallel_loop3A_474, %parallel_loop3A_480, %parallel_loop3A_481] : memref<4x2x1024xf32, #tpu.memory_space<vmem>> -> memref<1x2x1024xf32, #tpu.memory_space<vmem>>
          %parallel_loop3A_483 = tpu.memref_squeeze %parallel_loop3A_482 : memref<1x2x1024xf32, #tpu.memory_space<vmem>> -> memref<2x1024xf32, #tpu.memory_space<vmem>>
          %parallel_loop3A_484 = arith.constant 0 : index
          %parallel_loop3A_485 = arith.index_cast %parallel_loop3A_375 : i32 to index
          %parallel_loop3A_486 = tpu.vector_load %parallel_loop3A_483[%parallel_loop3A_484, %parallel_loop3A_485] {strides = array<i32>} : memref<2x1024xf32, #tpu.memory_space<vmem>>, vector<1x16xf32>,
          %parallel_loop3A_487 = vector.shape_cast %parallel_loop3A_486 : vector<1x16xf32> to vector<1x16xf32>
          %parallel_loop3A_488 = arith.addf %parallel_loop3A_487, %parallel_loop3A_383 : vector<1x16xf32>
          %parallel_loop3A_489 = arith.constant 3 : i32
          %parallel_loop3A_490 = arith.constant 0 : i32
          %parallel_loop3A_491 = arith.constant 0 : i32
          %parallel_loop3A_492 = arith.constant 0 : i32
          %parallel_loop3A_493 = tpu.memref_slice %run_scoped3A_10[%rem3A_268, %parallel_loop3A_490, %parallel_loop3A_491, %parallel_loop3A_492] : memref<2x4x2x1024xf32, #tpu.memory_space<vmem>> -> memref<1x4x2x1024xf32, #tpu.memory_space<vmem>>
          %parallel_loop3A_494 = tpu.memref_squeeze %parallel_loop3A_493 : memref<1x4x2x1024xf32, #tpu.memory_space<vmem>> -> memref<4x2x1024xf32, #tpu.memory_space<vmem>>
          %parallel_loop3A_495 = arith.constant 0 : i32
          %parallel_loop3A_496 = arith.constant 0 : i32
          %parallel_loop3A_497 = tpu.memref_slice %parallel_loop3A_494[%parallel_loop3A_489, %parallel_loop3A_495, %parallel_loop3A_496] : memref<4x2x1024xf32, #tpu.memory_space<vmem>> -> memref<1x2x1024xf32, #tpu.memory_space<vmem>>
          %parallel_loop3A_498 = tpu.memref_squeeze %parallel_loop3A_497 : memref<1x2x1024xf32, #tpu.memory_space<vmem>> -> memref<2x1024xf32, #tpu.memory_space<vmem>>
          %parallel_loop3A_499 = arith.constant 0 : index
          %parallel_loop3A_500 = arith.index_cast %parallel_loop3A_375 : i32 to index
          %parallel_loop3A_501 = tpu.vector_load %parallel_loop3A_498[%parallel_loop3A_499, %parallel_loop3A_500] {strides = array<i32>} : memref<2x1024xf32, #tpu.memory_space<vmem>>, vector<1x16xf32>,
          %parallel_loop3A_502 = vector.shape_cast %parallel_loop3A_501 : vector<1x16xf32> to vector<1x16xf32>
          %parallel_loop3A_503 = vector.shape_cast %parallel_loop3A_488 : vector<1x16xf32> to vector<1x16xf32>
          tpu.vector_store %parallel_loop3A_498[%parallel_loop3A_499, %parallel_loop3A_500], %parallel_loop3A_503 {strides = array<i32>} : memref<2x1024xf32, #tpu.memory_space<vmem>>, vector<1x16xf32>,
          %parallel_loop3A_504 = arith.constant 0 : i32
          %parallel_loop3A_505 = arith.constant 0 : i32
          %parallel_loop3A_506 = tpu.memref_slice %run_scoped3A_8[%rem3A_266, %parallel_loop3A_504, %parallel_loop3A_505] : memref<2x2x1024xf32, #tpu.memory_space<vmem>> -> memref<1x2x1024xf32, #tpu.memory_space<vmem>>
          %parallel_loop3A_507 = tpu.memref_squeeze %parallel_loop3A_506 : memref<1x2x1024xf32, #tpu.memory_space<vmem>> -> memref<2x1024xf32, #tpu.memory_space<vmem>>
          %parallel_loop3A_508 = arith.constant 1 : index
          %parallel_loop3A_509 = arith.index_cast %parallel_loop3A_375 : i32 to index
          %parallel_loop3A_510 = tpu.vector_load %parallel_loop3A_507[%parallel_loop3A_508, %parallel_loop3A_509] {strides = array<i32>} : memref<2x1024xf32, #tpu.memory_space<vmem>>, vector<1x16xf32>,
          %parallel_loop3A_511 = vector.shape_cast %parallel_loop3A_510 : vector<1x16xf32> to vector<1x16xf32>
          %parallel_loop3A_512 = arith.constant 0 : i32
          %parallel_loop3A_513 = arith.constant 0 : i32
          %parallel_loop3A_514 = arith.constant 0 : i32
          %parallel_loop3A_515 = arith.constant 0 : i32
          %parallel_loop3A_516 = tpu.memref_slice %run_scoped3A[%rem3A_264, %parallel_loop3A_513, %parallel_loop3A_514, %parallel_loop3A_515] : memref<2x4x2x1024xf32, #tpu.memory_space<vmem>> -> memref<1x4x2x1024xf32, #tpu.memory_space<vmem>>
          %parallel_loop3A_517 = tpu.memref_squeeze %parallel_loop3A_516 : memref<1x4x2x1024xf32, #tpu.memory_space<vmem>> -> memref<4x2x1024xf32, #tpu.memory_space<vmem>>
          %parallel_loop3A_518 = arith.constant 0 : i32
          %parallel_loop3A_519 = arith.constant 0 : i32
          %parallel_loop3A_520 = tpu.memref_slice %parallel_loop3A_517[%parallel_loop3A_512, %parallel_loop3A_518, %parallel_loop3A_519] : memref<4x2x1024xf32, #tpu.memory_space<vmem>> -> memref<1x2x1024xf32, #tpu.memory_space<vmem>>
          %parallel_loop3A_521 = tpu.memref_squeeze %parallel_loop3A_520 : memref<1x2x1024xf32, #tpu.memory_space<vmem>> -> memref<2x1024xf32, #tpu.memory_space<vmem>>
          %parallel_loop3A_522 = arith.constant 1 : index
          %parallel_loop3A_523 = arith.index_cast %parallel_loop3A_375 : i32 to index
          %parallel_loop3A_524 = tpu.vector_load %parallel_loop3A_521[%parallel_loop3A_522, %parallel_loop3A_523] {strides = array<i32>} : memref<2x1024xf32, #tpu.memory_space<vmem>>, vector<1x16xf32>,
          %parallel_loop3A_525 = vector.shape_cast %parallel_loop3A_524 : vector<1x16xf32> to vector<1x16xf32>
          %parallel_loop3A_526 = arith.addf %parallel_loop3A_525, %parallel_loop3A_511 : vector<1x16xf32>
          %parallel_loop3A_527 = arith.constant 0 : i32
          %parallel_loop3A_528 = arith.constant 0 : i32
          %parallel_loop3A_529 = arith.constant 0 : i32
          %parallel_loop3A_530 = arith.constant 0 : i32
          %parallel_loop3A_531 = tpu.memref_slice %run_scoped3A_10[%rem3A_268, %parallel_loop3A_528, %parallel_loop3A_529, %parallel_loop3A_530] : memref<2x4x2x1024xf32, #tpu.memory_space<vmem>> -> memref<1x4x2x1024xf32, #tpu.memory_space<vmem>>
          %parallel_loop3A_532 = tpu.memref_squeeze %parallel_loop3A_531 : memref<1x4x2x1024xf32, #tpu.memory_space<vmem>> -> memref<4x2x1024xf32, #tpu.memory_space<vmem>>
          %parallel_loop3A_533 = arith.constant 0 : i32
          %parallel_loop3A_534 = arith.constant 0 : i32
          %parallel_loop3A_535 = tpu.memref_slice %parallel_loop3A_532[%parallel_loop3A_527, %parallel_loop3A_533, %parallel_loop3A_534] : memref<4x2x1024xf32, #tpu.memory_space<vmem>> -> memref<1x2x1024xf32, #tpu.memory_space<vmem>>
          %parallel_loop3A_536 = tpu.memref_squeeze %parallel_loop3A_535 : memref<1x2x1024xf32, #tpu.memory_space<vmem>> -> memref<2x1024xf32, #tpu.memory_space<vmem>>
          %parallel_loop3A_537 = arith.constant 1 : index
          %parallel_loop3A_538 = arith.index_cast %parallel_loop3A_375 : i32 to index
          %parallel_loop3A_539 = tpu.vector_load %parallel_loop3A_536[%parallel_loop3A_537, %parallel_loop3A_538] {strides = array<i32>} : memref<2x1024xf32, #tpu.memory_space<vmem>>, vector<1x16xf32>,
          %parallel_loop3A_540 = vector.shape_cast %parallel_loop3A_539 : vector<1x16xf32> to vector<1x16xf32>
          %parallel_loop3A_541 = vector.shape_cast %parallel_loop3A_526 : vector<1x16xf32> to vector<1x16xf32>
          tpu.vector_store %parallel_loop3A_536[%parallel_loop3A_537, %parallel_loop3A_538], %parallel_loop3A_541 {strides = array<i32>} : memref<2x1024xf32, #tpu.memory_space<vmem>>, vector<1x16xf32>,
          %parallel_loop3A_542 = arith.constant 1 : i32
          %parallel_loop3A_543 = arith.constant 0 : i32
          %parallel_loop3A_544 = arith.constant 0 : i32
          %parallel_loop3A_545 = arith.constant 0 : i32
          %parallel_loop3A_546 = tpu.memref_slice %run_scoped3A[%rem3A_264, %parallel_loop3A_543, %parallel_loop3A_544, %parallel_loop3A_545] : memref<2x4x2x1024xf32, #tpu.memory_space<vmem>> -> memref<1x4x2x1024xf32, #tpu.memory_space<vmem>>
          %parallel_loop3A_547 = tpu.memref_squeeze %parallel_loop3A_546 : memref<1x4x2x1024xf32, #tpu.memory_space<vmem>> -> memref<4x2x1024xf32, #tpu.memory_space<vmem>>
          %parallel_loop3A_548 = arith.constant 0 : i32
          %parallel_loop3A_549 = arith.constant 0 : i32
          %parallel_loop3A_550 = tpu.memref_slice %parallel_loop3A_547[%parallel_loop3A_542, %parallel_loop3A_548, %parallel_loop3A_549] : memref<4x2x1024xf32, #tpu.memory_space<vmem>> -> memref<1x2x1024xf32, #tpu.memory_space<vmem>>
          %parallel_loop3A_551 = tpu.memref_squeeze %parallel_loop3A_550 : memref<1x2x1024xf32, #tpu.memory_space<vmem>> -> memref<2x1024xf32, #tpu.memory_space<vmem>>
          %parallel_loop3A_552 = arith.constant 1 : index
          %parallel_loop3A_553 = arith.index_cast %parallel_loop3A_375 : i32 to index
          %parallel_loop3A_554 = tpu.vector_load %parallel_loop3A_551[%parallel_loop3A_552, %parallel_loop3A_553] {strides = array<i32>} : memref<2x1024xf32, #tpu.memory_space<vmem>>, vector<1x16xf32>,
          %parallel_loop3A_555 = vector.shape_cast %parallel_loop3A_554 : vector<1x16xf32> to vector<1x16xf32>
          %parallel_loop3A_556 = arith.addf %parallel_loop3A_555, %parallel_loop3A_511 : vector<1x16xf32>
          %parallel_loop3A_557 = arith.constant 1 : i32
          %parallel_loop3A_558 = arith.constant 0 : i32
          %parallel_loop3A_559 = arith.constant 0 : i32
          %parallel_loop3A_560 = arith.constant 0 : i32
          %parallel_loop3A_561 = tpu.memref_slice %run_scoped3A_10[%rem3A_268, %parallel_loop3A_558, %parallel_loop3A_559, %parallel_loop3A_560] : memref<2x4x2x1024xf32, #tpu.memory_space<vmem>> -> memref<1x4x2x1024xf32, #tpu.memory_space<vmem>>
          %parallel_loop3A_562 = tpu.memref_squeeze %parallel_loop3A_561 : memref<1x4x2x1024xf32, #tpu.memory_space<vmem>> -> memref<4x2x1024xf32, #tpu.memory_space<vmem>>
          %parallel_loop3A_563 = arith.constant 0 : i32
          %parallel_loop3A_564 = arith.constant 0 : i32
          %parallel_loop3A_565 = tpu.memref_slice %parallel_loop3A_562[%parallel_loop3A_557, %parallel_loop3A_563, %parallel_loop3A_564] : memref<4x2x1024xf32, #tpu.memory_space<vmem>> -> memref<1x2x1024xf32, #tpu.memory_space<vmem>>
          %parallel_loop3A_566 = tpu.memref_squeeze %parallel_loop3A_565 : memref<1x2x1024xf32, #tpu.memory_space<vmem>> -> memref<2x1024xf32, #tpu.memory_space<vmem>>
          %parallel_loop3A_567 = arith.constant 1 : index
          %parallel_loop3A_568 = arith.index_cast %parallel_loop3A_375 : i32 to index
          %parallel_loop3A_569 = tpu.vector_load %parallel_loop3A_566[%parallel_loop3A_567, %parallel_loop3A_568] {strides = array<i32>} : memref<2x1024xf32, #tpu.memory_space<vmem>>, vector<1x16xf32>,
          %parallel_loop3A_570 = vector.shape_cast %parallel_loop3A_569 : vector<1x16xf32> to vector<1x16xf32>
          %parallel_loop3A_571 = vector.shape_cast %parallel_loop3A_556 : vector<1x16xf32> to vector<1x16xf32>
          tpu.vector_store %parallel_loop3A_566[%parallel_loop3A_567, %parallel_loop3A_568], %parallel_loop3A_571 {strides = array<i32>} : memref<2x1024xf32, #tpu.memory_space<vmem>>, vector<1x16xf32>,
          %parallel_loop3A_572 = arith.constant 2 : i32
          %parallel_loop3A_573 = arith.constant 0 : i32
          %parallel_loop3A_574 = arith.constant 0 : i32
          %parallel_loop3A_575 = arith.constant 0 : i32
          %parallel_loop3A_576 = tpu.memref_slice %run_scoped3A[%rem3A_264, %parallel_loop3A_573, %parallel_loop3A_574, %parallel_loop3A_575] : memref<2x4x2x1024xf32, #tpu.memory_space<vmem>> -> memref<1x4x2x1024xf32, #tpu.memory_space<vmem>>
          %parallel_loop3A_577 = tpu.memref_squeeze %parallel_loop3A_576 : memref<1x4x2x1024xf32, #tpu.memory_space<vmem>> -> memref<4x2x1024xf32, #tpu.memory_space<vmem>>
          %parallel_loop3A_578 = arith.constant 0 : i32
          %parallel_loop3A_579 = arith.constant 0 : i32
          %parallel_loop3A_580 = tpu.memref_slice %parallel_loop3A_577[%parallel_loop3A_572, %parallel_loop3A_578, %parallel_loop3A_579] : memref<4x2x1024xf32, #tpu.memory_space<vmem>> -> memref<1x2x1024xf32, #tpu.memory_space<vmem>>
          %parallel_loop3A_581 = tpu.memref_squeeze %parallel_loop3A_580 : memref<1x2x1024xf32, #tpu.memory_space<vmem>> -> memref<2x1024xf32, #tpu.memory_space<vmem>>
          %parallel_loop3A_582 = arith.constant 1 : index
          %parallel_loop3A_583 = arith.index_cast %parallel_loop3A_375 : i32 to index
          %parallel_loop3A_584 = tpu.vector_load %parallel_loop3A_581[%parallel_loop3A_582, %parallel_loop3A_583] {strides = array<i32>} : memref<2x1024xf32, #tpu.memory_space<vmem>>, vector<1x16xf32>,
          %parallel_loop3A_585 = vector.shape_cast %parallel_loop3A_584 : vector<1x16xf32> to vector<1x16xf32>
          %parallel_loop3A_586 = arith.addf %parallel_loop3A_585, %parallel_loop3A_511 : vector<1x16xf32>
          %parallel_loop3A_587 = arith.constant 2 : i32
          %parallel_loop3A_588 = arith.constant 0 : i32
          %parallel_loop3A_589 = arith.constant 0 : i32
          %parallel_loop3A_590 = arith.constant 0 : i32
          %parallel_loop3A_591 = tpu.memref_slice %run_scoped3A_10[%rem3A_268, %parallel_loop3A_588, %parallel_loop3A_589, %parallel_loop3A_590] : memref<2x4x2x1024xf32, #tpu.memory_space<vmem>> -> memref<1x4x2x1024xf32, #tpu.memory_space<vmem>>
          %parallel_loop3A_592 = tpu.memref_squeeze %parallel_loop3A_591 : memref<1x4x2x1024xf32, #tpu.memory_space<vmem>> -> memref<4x2x1024xf32, #tpu.memory_space<vmem>>
          %parallel_loop3A_593 = arith.constant 0 : i32
          %parallel_loop3A_594 = arith.constant 0 : i32
          %parallel_loop3A_595 = tpu.memref_slice %parallel_loop3A_592[%parallel_loop3A_587, %parallel_loop3A_593, %parallel_loop3A_594] : memref<4x2x1024xf32, #tpu.memory_space<vmem>> -> memref<1x2x1024xf32, #tpu.memory_space<vmem>>
          %parallel_loop3A_596 = tpu.memref_squeeze %parallel_loop3A_595 : memref<1x2x1024xf32, #tpu.memory_space<vmem>> -> memref<2x1024xf32, #tpu.memory_space<vmem>>
          %parallel_loop3A_597 = arith.constant 1 : index
          %parallel_loop3A_598 = arith.index_cast %parallel_loop3A_375 : i32 to index
          %parallel_loop3A_599 = tpu.vector_load %parallel_loop3A_596[%parallel_loop3A_597, %parallel_loop3A_598] {strides = array<i32>} : memref<2x1024xf32, #tpu.memory_space<vmem>>, vector<1x16xf32>,
          %parallel_loop3A_600 = vector.shape_cast %parallel_loop3A_599 : vector<1x16xf32> to vector<1x16xf32>
          %parallel_loop3A_601 = vector.shape_cast %parallel_loop3A_586 : vector<1x16xf32> to vector<1x16xf32>
          tpu.vector_store %parallel_loop3A_596[%parallel_loop3A_597, %parallel_loop3A_598], %parallel_loop3A_601 {strides = array<i32>} : memref<2x1024xf32, #tpu.memory_space<vmem>>, vector<1x16xf32>,
          %parallel_loop3A_602 = arith.constant 3 : i32
          %parallel_loop3A_603 = arith.constant 0 : i32
          %parallel_loop3A_604 = arith.constant 0 : i32
          %parallel_loop3A_605 = arith.constant 0 : i32
          %parallel_loop3A_606 = tpu.memref_slice %run_scoped3A[%rem3A_264, %parallel_loop3A_603, %parallel_loop3A_604, %parallel_loop3A_605] : memref<2x4x2x1024xf32, #tpu.memory_space<vmem>> -> memref<1x4x2x1024xf32, #tpu.memory_space<vmem>>
          %parallel_loop3A_607 = tpu.memref_squeeze %parallel_loop3A_606 : memref<1x4x2x1024xf32, #tpu.memory_space<vmem>> -> memref<4x2x1024xf32, #tpu.memory_space<vmem>>
          %parallel_loop3A_608 = arith.constant 0 : i32
          %parallel_loop3A_609 = arith.constant 0 : i32
          %parallel_loop3A_610 = tpu.memref_slice %parallel_loop3A_607[%parallel_loop3A_602, %parallel_loop3A_608, %parallel_loop3A_609] : memref<4x2x1024xf32, #tpu.memory_space<vmem>> -> memref<1x2x1024xf32, #tpu.memory_space<vmem>>
          %parallel_loop3A_611 = tpu.memref_squeeze %parallel_loop3A_610 : memref<1x2x1024xf32, #tpu.memory_space<vmem>> -> memref<2x1024xf32, #tpu.memory_space<vmem>>
          %parallel_loop3A_612 = arith.constant 1 : index
          %parallel_loop3A_613 = arith.index_cast %parallel_loop3A_375 : i32 to index
          %parallel_loop3A_614 = tpu.vector_load %parallel_loop3A_611[%parallel_loop3A_612, %parallel_loop3A_613] {strides = array<i32>} : memref<2x1024xf32, #tpu.memory_space<vmem>>, vector<1x16xf32>,
          %parallel_loop3A_615 = vector.shape_cast %parallel_loop3A_614 : vector<1x16xf32> to vector<1x16xf32>
          %parallel_loop3A_616 = arith.addf %parallel_loop3A_615, %parallel_loop3A_511 : vector<1x16xf32>
          %parallel_loop3A_617 = arith.constant 3 : i32
          %parallel_loop3A_618 = arith.constant 0 : i32
          %parallel_loop3A_619 = arith.constant 0 : i32
          %parallel_loop3A_620 = arith.constant 0 : i32
          %parallel_loop3A_621 = tpu.memref_slice %run_scoped3A_10[%rem3A_268, %parallel_loop3A_618, %parallel_loop3A_619, %parallel_loop3A_620] : memref<2x4x2x1024xf32, #tpu.memory_space<vmem>> -> memref<1x4x2x1024xf32, #tpu.memory_space<vmem>>
          %parallel_loop3A_622 = tpu.memref_squeeze %parallel_loop3A_621 : memref<1x4x2x1024xf32, #tpu.memory_space<vmem>> -> memref<4x2x1024xf32, #tpu.memory_space<vmem>>
          %parallel_loop3A_623 = arith.constant 0 : i32
          %parallel_loop3A_624 = arith.constant 0 : i32
          %parallel_loop3A_625 = tpu.memref_slice %parallel_loop3A_622[%parallel_loop3A_617, %parallel_loop3A_623, %parallel_loop3A_624] : memref<4x2x1024xf32, #tpu.memory_space<vmem>> -> memref<1x2x1024xf32, #tpu.memory_space<vmem>>
          %parallel_loop3A_626 = tpu.memref_squeeze %parallel_loop3A_625 : memref<1x2x1024xf32, #tpu.memory_space<vmem>> -> memref<2x1024xf32, #tpu.memory_space<vmem>>
          %parallel_loop3A_627 = arith.constant 1 : index
          %parallel_loop3A_628 = arith.index_cast %parallel_loop3A_375 : i32 to index
          %parallel_loop3A_629 = tpu.vector_load %parallel_loop3A_626[%parallel_loop3A_627, %parallel_loop3A_628] {strides = array<i32>} : memref<2x1024xf32, #tpu.memory_space<vmem>>, vector<1x16xf32>,
          %parallel_loop3A_630 = vector.shape_cast %parallel_loop3A_629 : vector<1x16xf32> to vector<1x16xf32>
          %parallel_loop3A_631 = vector.shape_cast %parallel_loop3A_616 : vector<1x16xf32> to vector<1x16xf32>
          tpu.vector_store %parallel_loop3A_626[%parallel_loop3A_627, %parallel_loop3A_628], %parallel_loop3A_631 {strides = array<i32>} : memref<2x1024xf32, #tpu.memory_space<vmem>>, vector<1x16xf32>,
        } {sc.loop_unroll_factor = 4 : i64, sc.parallel_access}
        "tpu.trace_stop"() : () -> ()
        %ne3A_271 = arith.cmpi ne, %add3A_169, %add3A_187 : i32
        %or3A_272 = arith.constant false
        %or3A_273 = arith.ori %or3A_272, %ne3A_271 : i1
        %or3A_274 = arith.constant false
        %or3A_275 = arith.ori %or3A_273, %or3A_274 : i1
        %or3A_276 = arith.ori %or3A_275, %eq3A_168 : i1
        %convert_element_type3A_277 = arith.extui %or3A_276 : i1 to i32
        %cond3A_278 = arith.constant 0 : i32
        %cond3A_279 = arith.cmpi ne, %convert_element_type3A_277, %cond3A_278 : i32
        scf.if %cond3A_279 {
        } else {
        }
        %and3A_280 = arith.constant false
        %and3A_281 = arith.andi %or3A_276, %and3A_280 : i1
        %ne3A_282 = arith.cmpi ne, %add3A_169, %add3A_187 : i32
        %or3A_283 = arith.constant false
        %or3A_284 = arith.ori %or3A_283, %ne3A_282 : i1
        %or3A_285 = arith.constant false
        %or3A_286 = arith.ori %or3A_284, %or3A_285 : i1
        %or3A_287 = arith.ori %or3A_286, %eq3A_168 : i1
        %convert_element_type3A_288 = arith.extui %or3A_287 : i1 to i32
        %cond3A_289 = arith.constant 0 : i32
        %cond3A_290 = arith.cmpi ne, %convert_element_type3A_288, %cond3A_289 : i32
        scf.if %cond3A_290 {
        } else {
        }
        %and3A_291 = arith.constant false
        %and3A_292 = arith.andi %or3A_287, %and3A_291 : i1
        %ne3A_293 = arith.cmpi ne, %add3A_169, %add3A_187 : i32
        %or3A_294 = arith.constant false
        %or3A_295 = arith.ori %or3A_294, %ne3A_293 : i1
        %or3A_296 = arith.constant false
        %or3A_297 = arith.ori %or3A_295, %or3A_296 : i1
        %or3A_298 = arith.ori %or3A_297, %eq3A_168 : i1
        %convert_element_type3A_299 = arith.extui %or3A_298 : i1 to i32
        %cond3A_300 = arith.constant 0 : i32
        %cond3A_301 = arith.cmpi ne, %convert_element_type3A_299, %cond3A_300 : i32
        scf.if %cond3A_301 {
          "tpu.trace_start"() <{level = 10 : i32, message = "ep_copy_out"}> : () -> ()
          %rem3A_375 = arith.constant 2 : i32
          %rem3A_376 = arith.remui %scan3A_162, %rem3A_375 : i32
          %mul3A_377 = arith.constant 2 : i32
          %mul3A_378 = arith.muli %mul3A_377, %add3A_169 : i32
          %dma_start3A_379 = arith.constant 0 : i32
          %dma_start3A_380 = arith.constant 0 : i32
          %dma_start3A_381 = arith.constant 0 : i32
          %dma_start3A_382 = tpu.memref_slice %run_scoped3A_10[%rem3A_376, %dma_start3A_379, %dma_start3A_380, %dma_start3A_381] : memref<2x4x2x1024xf32, #tpu.memory_space<vmem>> -> memref<1x4x2x1024xf32, #tpu.memory_space<vmem>>
          %dma_start3A_383 = tpu.memref_squeeze %dma_start3A_382 : memref<1x4x2x1024xf32, #tpu.memory_space<vmem>> -> memref<4x2x1024xf32, #tpu.memory_space<vmem>>
          %dma_start3A_384 = arith.constant 0 : i32
          %dma_start3A_385 = arith.constant 0 : i32
          %dma_start3A_386 = tpu.memref_slice %arg4[%dma_start3A_384, %mul3A_378, %dma_start3A_385] : memref<4x2048x1024xf32, #tpu.memory_space<hbm>> -> memref<4x2x1024xf32, #tpu.memory_space<hbm>>
          %dma_start3A_387 = tpu.memref_slice %run_scoped3A_11[%rem3A_376] : memref<2x!tpu.dma_semaphore, #tpu.memory_space<semaphore_mem>> -> memref<1x!tpu.dma_semaphore, #tpu.memory_space<semaphore_mem>>
          %dma_start3A_388 = tpu.memref_squeeze %dma_start3A_387 : memref<1x!tpu.dma_semaphore, #tpu.memory_space<semaphore_mem>> -> memref<!tpu.dma_semaphore, #tpu.memory_space<semaphore_mem>>
          %dma_start3A_389 = arith.constant 0 : i32
          %dma_start3A_390 = arith.constant 0 : i32
          %dma_start3A_391 = tpu.memref_slice %arg4[%dma_start3A_389, %mul3A_378, %dma_start3A_390] : memref<4x2048x1024xf32, #tpu.memory_space<hbm>> -> memref<4x2x1024xf32, #tpu.memory_space<hbm>>
          %dma_start3A_392 = arith.constant 0 : i32
          %dma_start3A_393 = arith.constant 0 : i32
          %dma_start3A_394 = arith.constant 0 : i32
          %dma_start3A_395 = tpu.memref_slice %run_scoped3A_10[%rem3A_376, %dma_start3A_392, %dma_start3A_393, %dma_start3A_394] : memref<2x4x2x1024xf32, #tpu.memory_space<vmem>> -> memref<1x4x2x1024xf32, #tpu.memory_space<vmem>>
          %dma_start3A_396 = tpu.memref_squeeze %dma_start3A_395 : memref<1x4x2x1024xf32, #tpu.memory_space<vmem>> -> memref<4x2x1024xf32, #tpu.memory_space<vmem>>
          tpu.enqueue_dma source(%dma_start3A_396 : memref<4x2x1024xf32, #tpu.memory_space<vmem>>) target(%dma_start3A_391 : memref<4x2x1024xf32, #tpu.memory_space<hbm>>) target_semaphore(%dma_start3A_388 : memref<!tpu.dma_semaphore, #tpu.memory_space<semaphore_mem>>)
          "tpu.trace_stop"() : () -> ()
        } else {
        }
        %and3A_302 = arith.constant true
        %and3A_303 = arith.andi %or3A_298, %and3A_302 : i1
        %add3A_304 = arith.constant 1 : i32
        %add3A_305 = arith.addi %scan3A_162, %add3A_304 : i32
        %select_n3A_306 = arith.select %and3A_303, %add3A_305, %scan3A_162 : i32
        %ne3A_307 = arith.cmpi ne, %add3A_169, %add3A_178 : i32
        %or3A_308 = arith.constant false
        %or3A_309 = arith.ori %or3A_308, %ne3A_307 : i1
        %or3A_310 = arith.constant false
        %or3A_311 = arith.ori %or3A_309, %or3A_310 : i1
        %not3A_312 = arith.constant true
        %not3A_313 = arith.xori %eq3A_166, %not3A_312 : i1
        %and3A_314 = arith.andi %or3A_311, %not3A_313 : i1
        %convert_element_type3A_315 = arith.extui %and3A_314 : i1 to i32
        %cond3A_316 = arith.constant 0 : i32
        %cond3A_317 = arith.cmpi ne, %convert_element_type3A_315, %cond3A_316 : i32
        scf.if %cond3A_317 {
        } else {
        }
        %and3A_318 = arith.constant false
        %and3A_319 = arith.andi %and3A_314, %and3A_318 : i1
        %ne3A_320 = arith.cmpi ne, %add3A_169, %add3A_178 : i32
        %or3A_321 = arith.constant false
        %or3A_322 = arith.ori %or3A_321, %ne3A_320 : i1
        %or3A_323 = arith.constant false
        %or3A_324 = arith.ori %or3A_322, %or3A_323 : i1
        %not3A_325 = arith.constant true
        %not3A_326 = arith.xori %eq3A_166, %not3A_325 : i1
        %and3A_327 = arith.andi %or3A_324, %not3A_326 : i1
        %convert_element_type3A_328 = arith.extui %and3A_327 : i1 to i32
        %cond3A_329 = arith.constant 0 : i32
        %cond3A_330 = arith.cmpi ne, %convert_element_type3A_328, %cond3A_329 : i32
        scf.if %cond3A_330 {
        } else {
        }
        %and3A_331 = arith.constant false
        %and3A_332 = arith.andi %and3A_327, %and3A_331 : i1
        %ne3A_333 = arith.cmpi ne, %add3A_169, %add3A_178 : i32
        %or3A_334 = arith.constant false
        %or3A_335 = arith.ori %or3A_334, %ne3A_333 : i1
        %or3A_336 = arith.constant false
        %or3A_337 = arith.ori %or3A_335, %or3A_336 : i1
        %not3A_338 = arith.constant true
        %not3A_339 = arith.xori %eq3A_166, %not3A_338 : i1
        %and3A_340 = arith.andi %or3A_337, %not3A_339 : i1
        %convert_element_type3A_341 = arith.extui %and3A_340 : i1 to i32
        %cond3A_342 = arith.constant 0 : i32
        %cond3A_343 = arith.cmpi ne, %convert_element_type3A_341, %cond3A_342 : i32
        scf.if %cond3A_343 {
          "tpu.trace_start"() <{level = 10 : i32, message = "ep_wait_out"}> : () -> ()
          %rem3A_375 = arith.constant 2 : i32
          %rem3A_376 = arith.remui %scan3A_163, %rem3A_375 : i32
          %mul3A_377 = arith.constant 2 : i32
          %mul3A_378 = arith.muli %mul3A_377, %add3A_178 : i32
          %dma_wait3A_379 = arith.constant 0 : i32
          %dma_wait3A_380 = arith.constant 0 : i32
          %dma_wait3A_381 = arith.constant 0 : i32
          %dma_wait3A_382 = tpu.memref_slice %run_scoped3A_10[%rem3A_376, %dma_wait3A_379, %dma_wait3A_380, %dma_wait3A_381] : memref<2x4x2x1024xf32, #tpu.memory_space<vmem>> -> memref<1x4x2x1024xf32, #tpu.memory_space<vmem>>
          %dma_wait3A_383 = tpu.memref_squeeze %dma_wait3A_382 : memref<1x4x2x1024xf32, #tpu.memory_space<vmem>> -> memref<4x2x1024xf32, #tpu.memory_space<vmem>>
          %dma_wait3A_384 = arith.constant 0 : i32
          %dma_wait3A_385 = arith.constant 0 : i32
          %dma_wait3A_386 = tpu.memref_slice %arg4[%dma_wait3A_384, %mul3A_378, %dma_wait3A_385] : memref<4x2048x1024xf32, #tpu.memory_space<hbm>> -> memref<4x2x1024xf32, #tpu.memory_space<hbm>>
          %dma_wait3A_387 = tpu.memref_slice %run_scoped3A_11[%rem3A_376] : memref<2x!tpu.dma_semaphore, #tpu.memory_space<semaphore_mem>> -> memref<1x!tpu.dma_semaphore, #tpu.memory_space<semaphore_mem>>
          %dma_wait3A_388 = tpu.memref_squeeze %dma_wait3A_387 : memref<1x!tpu.dma_semaphore, #tpu.memory_space<semaphore_mem>> -> memref<!tpu.dma_semaphore, #tpu.memory_space<semaphore_mem>>
          %dma_wait3A_389 = arith.constant 0 : i32
          %dma_wait3A_390 = arith.constant 0 : i32
          %dma_wait3A_391 = tpu.memref_slice %arg4[%dma_wait3A_389, %mul3A_378, %dma_wait3A_390] : memref<4x2048x1024xf32, #tpu.memory_space<hbm>> -> memref<4x2x1024xf32, #tpu.memory_space<hbm>>
          %dma_wait3A_392 = arith.constant 0 : i32
          %dma_wait3A_393 = arith.constant 0 : i32
          %dma_wait3A_394 = arith.constant 0 : i32
          %dma_wait3A_395 = tpu.memref_slice %run_scoped3A_10[%rem3A_376, %dma_wait3A_392, %dma_wait3A_393, %dma_wait3A_394] : memref<2x4x2x1024xf32, #tpu.memory_space<vmem>> -> memref<1x4x2x1024xf32, #tpu.memory_space<vmem>>
          %dma_wait3A_396 = tpu.memref_squeeze %dma_wait3A_395 : memref<1x4x2x1024xf32, #tpu.memory_space<vmem>> -> memref<4x2x1024xf32, #tpu.memory_space<vmem>>
          tpu.wait_dma2 semaphore(%dma_wait3A_388 : memref<!tpu.dma_semaphore, #tpu.memory_space<semaphore_mem>>) src(%dma_wait3A_396 : memref<4x2x1024xf32, #tpu.memory_space<vmem>>) dst(%dma_wait3A_391 : memref<4x2x1024xf32, #tpu.memory_space<hbm>>)
          "tpu.trace_stop"() : () -> ()
        } else {
        }
        %and3A_344 = arith.constant true
        %and3A_345 = arith.andi %and3A_340, %and3A_344 : i1
        %add3A_346 = arith.constant 1 : i32
        %add3A_347 = arith.addi %scan3A_163, %add3A_346 : i32
        %select_n3A_348 = arith.select %and3A_345, %add3A_347, %scan3A_163 : i32
        %ne3A_349 = arith.cmpi ne, %add3A_169, %add3A_187 : i32
        %or3A_350 = arith.constant false
        %or3A_351 = arith.ori %or3A_350, %ne3A_349 : i1
        %or3A_352 = arith.constant false
        %or3A_353 = arith.ori %or3A_351, %or3A_352 : i1
        %or3A_354 = arith.ori %or3A_353, %eq3A_168 : i1
        %add3A_355 = arith.constant 1 : i32
        %add3A_356 = arith.addi %scan3A_159, %add3A_355 : i32
        %select_n3A_357 = arith.select %or3A_354, %add3A_356, %scan3A_159 : i32
        %ne3A_358 = arith.cmpi ne, %add3A_169, %add3A_187 : i32
        %or3A_359 = arith.constant false
        %or3A_360 = arith.ori %or3A_359, %ne3A_358 : i1
        %or3A_361 = arith.constant false
        %or3A_362 = arith.ori %or3A_360, %or3A_361 : i1
        %or3A_363 = arith.ori %or3A_362, %eq3A_168 : i1
        %add3A_364 = arith.constant 1 : i32
        %add3A_365 = arith.addi %scan3A_161, %add3A_364 : i32
        %select_n3A_366 = arith.select %or3A_363, %add3A_365, %scan3A_161 : i32
        %add3A_367 = arith.constant 1 : i32
        %add3A_368 = arith.addi %scan3A_164, %add3A_367 : i32
        %select_n3A_369 = arith.constant true
        %select_n3A_370 = arith.select %select_n3A_369, %add3A_368, %scan3A_164 : i32
        %eq3A_371 = arith.constant 32 : i32
        %eq3A_372 = arith.cmpi eq, %select_n3A_370, %eq3A_371 : i32
        %select_n3A_373 = arith.constant 0 : i32
        %select_n3A_374 = arith.select %eq3A_372, %select_n3A_373, %select_n3A_370 : i32
        scf.yield %select_n3A_207, %select_n3A_357, %select_n3A_225, %select_n3A_366, %select_n3A_306, %select_n3A_348, %select_n3A_374 : i32, i32, i32, i32, i32, i32, i32
      }
      %scan3A_100 = arith.constant 32 : i32
      %sub3A = arith.constant 1 : i32
      %sub3A_101 = arith.subi %scan3A_99#6, %sub3A : i32
      %select_n3A_102 = arith.constant true
      %select_n3A_103 = arith.select %select_n3A_102, %sub3A_101, %scan3A_99#6 : i32
      %eq3A_104 = arith.constant -1 : i32
      %eq3A_105 = arith.cmpi eq, %select_n3A_103, %eq3A_104 : i32
      %select_n3A_106 = arith.constant 31 : i32
      %select_n3A_107 = arith.select %eq3A_105, %select_n3A_106, %select_n3A_103 : i32
      %add3A_108 = arith.addi %select_n3A_107, %mul3A_6 : i32
      %sub3A_109 = arith.constant 1 : i32
      %sub3A_110 = arith.subi %select_n3A_107, %sub3A_109 : i32
      %select_n3A_111 = arith.constant true
      %select_n3A_112 = arith.select %select_n3A_111, %sub3A_110, %select_n3A_107 : i32
      %eq3A_113 = arith.constant -1 : i32
      %eq3A_114 = arith.cmpi eq, %select_n3A_112, %eq3A_113 : i32
      %select_n3A_115 = arith.constant 31 : i32
      %select_n3A_116 = arith.select %eq3A_114, %select_n3A_115, %select_n3A_112 : i32
      %add3A_117 = arith.addi %select_n3A_116, %mul3A_6 : i32
      %add3A_118 = arith.constant 1 : i32
      %add3A_119 = arith.addi %select_n3A_107, %add3A_118 : i32
      %select_n3A_120 = arith.constant true
      %select_n3A_121 = arith.select %select_n3A_120, %add3A_119, %select_n3A_107 : i32
      %eq3A_122 = arith.constant 32 : i32
      %eq3A_123 = arith.cmpi eq, %select_n3A_121, %eq3A_122 : i32
      %select_n3A_124 = arith.constant 0 : i32
      %select_n3A_125 = arith.select %eq3A_123, %select_n3A_124, %select_n3A_121 : i32
      %add3A_126 = arith.addi %select_n3A_125, %mul3A_6 : i32
      %add3A_127 = arith.constant 1 : i32
      %add3A_128 = arith.addi %select_n3A_125, %add3A_127 : i32
      %select_n3A_129 = arith.constant true
      %select_n3A_130 = arith.select %select_n3A_129, %add3A_128, %select_n3A_125 : i32
      %eq3A_131 = arith.constant 32 : i32
      %eq3A_132 = arith.cmpi eq, %select_n3A_130, %eq3A_131 : i32
      %select_n3A_133 = arith.constant 0 : i32
      %select_n3A_134 = arith.select %eq3A_132, %select_n3A_133, %select_n3A_130 : i32
      %add3A_135 = arith.addi %select_n3A_134, %mul3A_6 : i32
      "tpu.trace_start"() <{level = 10 : i32, message = "ep_finalize"}> : () -> ()
      %rem3A_136 = arith.constant 2 : i32
      %rem3A_137 = arith.remui %scan3A_99#5, %rem3A_136 : i32
      %mul3A_138 = arith.constant 2 : i32
      %mul3A_139 = arith.muli %mul3A_138, %add3A_108 : i32
      %dma_wait3A = arith.constant 0 : i32
      %dma_wait3A_140 = arith.constant 0 : i32
      %dma_wait3A_141 = arith.constant 0 : i32
      %dma_wait3A_142 = tpu.memref_slice %run_scoped3A_10[%rem3A_137, %dma_wait3A, %dma_wait3A_140, %dma_wait3A_141] : memref<2x4x2x1024xf32, #tpu.memory_space<vmem>> -> memref<1x4x2x1024xf32, #tpu.memory_space<vmem>>
      %dma_wait3A_143 = tpu.memref_squeeze %dma_wait3A_142 : memref<1x4x2x1024xf32, #tpu.memory_space<vmem>> -> memref<4x2x1024xf32, #tpu.memory_space<vmem>>
      %dma_wait3A_144 = arith.constant 0 : i32
      %dma_wait3A_145 = arith.constant 0 : i32
      %dma_wait3A_146 = tpu.memref_slice %arg4[%dma_wait3A_144, %mul3A_139, %dma_wait3A_145] : memref<4x2048x1024xf32, #tpu.memory_space<hbm>> -> memref<4x2x1024xf32, #tpu.memory_space<hbm>>
      %dma_wait3A_147 = tpu.memref_slice %run_scoped3A_11[%rem3A_137] : memref<2x!tpu.dma_semaphore, #tpu.memory_space<semaphore_mem>> -> memref<1x!tpu.dma_semaphore, #tpu.memory_space<semaphore_mem>>
      %dma_wait3A_148 = tpu.memref_squeeze %dma_wait3A_147 : memref<1x!tpu.dma_semaphore, #tpu.memory_space<semaphore_mem>> -> memref<!tpu.dma_semaphore, #tpu.memory_space<semaphore_mem>>
      %dma_wait3A_149 = arith.constant 0 : i32
      %dma_wait3A_150 = arith.constant 0 : i32
      %dma_wait3A_151 = tpu.memref_slice %arg4[%dma_wait3A_149, %mul3A_139, %dma_wait3A_150] : memref<4x2048x1024xf32, #tpu.memory_space<hbm>> -> memref<4x2x1024xf32, #tpu.memory_space<hbm>>
      %dma_wait3A_152 = arith.constant 0 : i32
      %dma_wait3A_153 = arith.constant 0 : i32
      %dma_wait3A_154 = arith.constant 0 : i32
      %dma_wait3A_155 = tpu.memref_slice %run_scoped3A_10[%rem3A_137, %dma_wait3A_152, %dma_wait3A_153, %dma_wait3A_154] : memref<2x4x2x1024xf32, #tpu.memory_space<vmem>> -> memref<1x4x2x1024xf32, #tpu.memory_space<vmem>>
      %dma_wait3A_156 = tpu.memref_squeeze %dma_wait3A_155 : memref<1x4x2x1024xf32, #tpu.memory_space<vmem>> -> memref<4x2x1024xf32, #tpu.memory_space<vmem>>
      tpu.wait_dma2 semaphore(%dma_wait3A_148 : memref<!tpu.dma_semaphore, #tpu.memory_space<semaphore_mem>>) src(%dma_wait3A_156 : memref<4x2x1024xf32, #tpu.memory_space<vmem>>) dst(%dma_wait3A_151 : memref<4x2x1024xf32, #tpu.memory_space<hbm>>)
      "tpu.trace_stop"() : () -> ()
      tpu.yield
    }) : () -> ()
    return
  }
}

</mosaic_0001>

<sc_bundles>
// kernel: kernel.3.cloned.1.call-start
scs
__scs_entry_jumppad:
0x0: {  	(pc) =	sbr.rel $0x88, $3  }
0x1: {  	(tag) =	ssettag $0x0;
	lr =	simm.s32 $0x1  }
0x2: {  	[smem:$0x3F9F] =	sst lr;
	_ =	strace $0xD0000000  }
0x3: {  	_ = 	snop  }
0x4: {  	_ = 	snop  }
0x5: {  	_ = 	snop  }
0x6: {  	_ = 	snop  }
0x7: {  	_ = 	snop  }
__scs_overlays_trampoline_lowered:
0x8: {  	[smem:$0x3FAE] =	sst s0  }
0x9: {  	[smem:$0x3FAF] =	sst s1  }
0xa: {  	[smem:$0x3FB0] =	sst s2  }
0xb: {  	[smem:$0x3FB1] =	sst s3  }
0xc: {  	[smem:$0x3FB2] =	sst s4  }
0xd: {  	[smem:$0x3FB3] =	sst s5  }
0xe: {  	[smem:$0x3FB4] =	sst s6  }
0xf: {  	[smem:$0x3FB5] =	sst s7  }
0x10: {  	[smem:$0x3FB6] =	sst s8  }
0x11: {  	[smem:$0x3FB7] =	sst s9;
	s0 =	simm.s32 @!p0 $0x0  }
0x12: {  	s1 =	sld [smem:$0x3F9D];
	s0 =	simm.s32 @p0 $0x1  }
0x13: {  	[smem:$0x3FB8] =	sst s0;
	s0 =	simm.s32 @!p1 $0x0  }
0x14: {  	s2 =	sld [smem:$0x3F9C];
	s0 =	simm.s32 @p1 $0x1  }
0x15: {  	[smem:$0x3FB9] =	sst s0;
	s0 =	simm.s32 @!p2 $0x0  }
0x16: {  	s3 =	sld [smem:$0x3FDB];
	s0 =	simm.s32 @p2 $0x1  }
0x17: {  	s4 =	simm.s32 $0x1BF5;
	[smem:$0x3FBB] =	sst s0  }
0x18: {  	s0 =	sld [smem:$0x3F9E];
	_ =	swait.ge [sflag:s4], $0x0  }
0x19: {  	s7 =	sld [smem:$0x3F9F]  }
0x1a: {  	s8 =	sadd.s32 $0xFFFFE003, lr  }
0x1b: {  	s9 =	sadd.s32 $0xFFFFFEF7, lr;
	s5 =	simm.s32 $0xFFFFFFFF;
	p2 =	slt.u32 s8, $0xFFFFF086  }
0x1c: {  	p1 =	slt.u32 s9, $0xF7A;
	s5 =	simm.s32 @!p2 $0x0  }
0x1d: {  	s5 =	simm.s32 @p1 $0x1;
	p0 =	seq.s32 s7, s2  }
0x1e: {  	s7 =	smul.u32 @!p0 $0xF7A, s2;
	p2 =	seq.s32 @!p0 s5, $0x0  }
0x1f: {  	s9 =	smul.u32 $0xF7A, s1;
	s8 =	simm.s32 @!p0 $0x1BF5;
	p2 =	por !p2, p0  }
0x20: {  	[sflag:s8] =	ssyncset.s32 @!p0 $0xFFFFF086;
	s6 =	sadd.s32 @!p0 s3, s7;
	s7 =	simm.s32 @!p0 $0x108  }
0x21: {  	s3 =	sadd.s32 s3, s9;
	s6 =	sadd.s32 @!p0 $0x88, s6;
	s7 =	simm.s32 @p2 $0x1082  }
0x22: {  	[simem:s7], [sflag:s8] =	dma.local @!p0 [hbm:s6], $0xF7A  }
0x23: {  	s9 =	sor.u32 $0xD0000000, s2;
	s6 =	simm.s32 $0x108;
	_ =	swait.ge @!p0 [sflag:s8], $0x0  }
0x24: {  	s3 =	sadd.s32 $0x88, s3;
	s6 =	simm.s32 @!p1 $0x1082;
	[sflag:s4] =	ssyncset.s32 $0xFFFFF086  }
0x25: {  	[simem:s6], [sflag:s4] =	dma.local [hbm:s3], $0xF7A  }
0x26: {  	[smem:$0x3F9F] =	sst s1;
	(tag) =	ssettag s2;
	_ =	strace s9  }
0x27: {  	s1 =	sld [smem:$0x3FAF]  }
0x28: {  	s2 =	sld [smem:$0x3FB0]  }
0x29: {  	s4 =	sld [smem:$0x3FB2]  }
0x2a: {  	p0 =	seq.s32 s5, $0x0;
	s5 =	sld [smem:$0x3FB3]  }
0x2b: {  	s6 =	sld [smem:$0x3FB4]  }
0x2c: {  	s7 =	sld [smem:$0x3FB5]  }
0x2d: {  	s3 =	simm.s32 $0x108;
	s8 =	sld [smem:$0x3FB6]  }
0x2e: {  	s3 =	simm.s32 @!p0 $0x1082;
	s9 =	sld [smem:$0x3FB7]  }
0x2f: {  	lr =	sadd.s32 s0, s3;
	s0 =	sld [smem:$0x3FAE]  }
0x30: {  	s3 =	sld [smem:$0x3FB1]  }
0x31: {  	[smem:$0x3FBA] =	sst s10  }
0x32: {  	s10 =	sld [smem:$0x3FB8];
	_ =	sdelay $0x3  }
0x33: {  	p0 =	seq.s32 s10, $0x1;
	s10 =	sld [smem:$0x3FBA];
	_ =	sdelay $0x3  }
0x34: {  	[smem:$0x3FBA] =	sst s10  }
0x35: {  	s10 =	sld [smem:$0x3FB9];
	_ =	sdelay $0x3  }
0x36: {  	p1 =	seq.s32 s10, $0x1;
	s10 =	sld [smem:$0x3FBA];
	_ =	sdelay $0x3  }
0x37: {  	[smem:$0x3FBA] =	sst s10  }
0x38: {  	s10 =	sld [smem:$0x3FBB]  }
0x39: {  	_ = 	snop;
	(pc) =	sbr.ind lr, $3  }
0x3a: {  	_ = 	snop  }
0x3b: {  	_ = 	snop  }
0x3c: {  	p2 =	seq.s32 s10, $0x1;
	s10 =	sld [smem:$0x3FBA]  }
0x3d: {  	_ =	shalt  }
0x3e: {  	_ =	shalt  }
0x3f: {  	_ =	shalt  }
0x40: {  	_ =	shalt  }
0x41: {  	_ =	shalt  }
0x42: {  	_ =	shalt  }
0x43: {  	_ =	shalt  }
0x44: {  	_ =	shalt  }
0x45: {  	_ =	shalt  }
0x46: {  	_ =	shalt  }
0x47: {  	_ =	shalt  }
0x48: {  	_ =	shalt  }
0x49: {  	_ =	shalt  }
0x4a: {  	_ =	shalt  }
0x4b: {  	_ =	shalt  }
0x4c: {  	_ =	shalt  }
0x4d: {  	_ =	shalt  }
0x4e: {  	_ =	shalt  }
0x4f: {  	_ =	shalt  }
0x50: {  	_ =	shalt  }
0x51: {  	_ =	shalt  }
0x52: {  	_ =	shalt  }
0x53: {  	_ =	shalt  }
0x54: {  	_ =	shalt  }
0x55: {  	_ =	shalt  }
0x56: {  	_ =	shalt  }
0x57: {  	_ =	shalt  }
0x58: {  	_ =	shalt  }
0x59: {  	_ =	shalt  }
0x5a: {  	_ =	shalt  }
0x5b: {  	_ =	shalt  }
0x5c: {  	_ =	shalt  }
0x5d: {  	_ =	shalt  }
0x5e: {  	_ =	shalt  }
0x5f: {  	_ =	shalt  }
0x60: {  	_ =	shalt  }
0x61: {  	_ =	shalt  }
0x62: {  	_ =	shalt  }
0x63: {  	_ =	shalt  }
0x64: {  	_ =	shalt  }
0x65: {  	_ =	shalt  }
0x66: {  	_ =	shalt  }
0x67: {  	_ =	shalt  }
0x68: {  	_ =	shalt  }
0x69: {  	_ =	shalt  }
0x6a: {  	_ =	shalt  }
0x6b: {  	_ =	shalt  }
0x6c: {  	_ =	shalt  }
0x6d: {  	_ =	shalt  }
0x6e: {  	_ =	shalt  }
0x6f: {  	_ =	shalt  }
0x70: {  	_ =	shalt  }
0x71: {  	_ =	shalt  }
0x72: {  	_ =	shalt  }
0x73: {  	_ =	shalt  }
0x74: {  	_ =	shalt  }
0x75: {  	_ =	shalt  }
0x76: {  	_ =	shalt  }
0x77: {  	_ =	shalt  }
0x78: {  	_ =	shalt  }
0x79: {  	_ =	shalt  }
0x7a: {  	_ =	shalt  }
0x7b: {  	_ =	shalt  }
0x7c: {  	_ =	shalt  }
0x7d: {  	_ =	shalt  }
0x7e: {  	_ =	shalt  }
0x7f: {  	_ =	shalt  }
0x80: {  	_ =	shalt  }
0x81: {  	_ =	shalt  }
0x82: {  	_ =	shalt  }
0x83: {  	_ =	shalt  }
0x84: {  	_ =	shalt  }
0x85: {  	_ =	shalt  }
0x86: {  	_ =	shalt  }
0x87: {  	_ =	shalt  }
.Lfunc_end0:
.L_simem_size_0:
called_computation_lowered:
.L_overlay_start_0:
0x88: {  	s2 =	sld [smem:$0x3FD9]  }
0x89: {  	s3 =	sld [smem:$0x3FFE];
	_ =	sdelay $0x1  }
0x8a: {  	s1 =	srdreg.scid  }
0x8b: {  	s0 =	sand.u32 $0x1, s1  }
0x8c: {  	s18 =	sshll.u32 s0, $0xA;
	s2 =	sadd.s32 s3, s2  }
0x8d: {  	s2 =	sadd.s32 s2, s18  }
0x8e: {  	[smem:$0x3FC6] =	sst s2  }
0x8f: {  	_ = 	snop  }
0x90: {  	s2 =	sld [smem:$0x3FC9]  }
0x91: {  	s19 =	sld [smem:$0x3FC8]  }
0x92: {  	s4 =	sld [smem:$0x3FD0];
	(tm) =	ssettm $0x1  }
0x93: {  	s5 =	sld [smem:$0x3FFB];
	_ =	sdelay $0x3  }
0x94: {  	_ =	strace s5  }
0x95: {  	s5 =	sld [smem:$0x3FFC];
	_ =	sdelay $0x3  }
0x96: {  	_ =	strace s5  }
0x97: {  	s5 =	sld [smem:$0x3FFD];
	_ =	sdelay $0x3  }
0x98: {  	_ =	strace s5  }
0x99: {  	_ =	strace $0x8FFFFFFF  }
0x9a: {  	s20 =	sld [smem:$0x3FDB];
	_ =	sdelay $0x1  }
0x9b: {  	s6 =	simm.s32 $_scs_section_size  }
0x9c: {  	s7 =	simm.s32 $_size__tile_overlayer_lowered;
	s8 =	simm.s32 $_tile_overlayer_lowered  }
0x9d: {  	s23 =	simm.s32 $0x1BFF;
	s22 =	sshll.u32 s8, $0x1;
	s5 =	sadd.s32 s6, s20  }
0x9e: {  	s9 =	simm.s32 $0x0;
	s21 =	sshll.u32 s7, $0x1;
	s7 =	sadd.s32 s22, s5  }
0x9f: {  	[timem:s9], [sflag:s23] =	dma.local [hbm:s7], s21  }
0xa0: {  	_ =	swait.ge [sflag:s23], s21  }
0xa1: {  	s6 =	ssub.s32 $0x0, s21;
	[sflag:s23] =	ssyncset.done $0x0  }
0xa2: {  	[sflag:s23] =	ssyncadd.s32 s6;
	_ =	sdelay $0x1  }
0xa3: {  	s24 =	simm.s32 $0x1B8B  }
0xa4: {  	_ =	swait.ge [sflag:s24], $0x1  }
0xa5: {  	[sflag:s24] =	ssyncset.done $0x0  }
0xa6: {  	s25 =	simm.s32 $0x1B8E;
	[sflag:s24] =	ssyncadd.s32 $0xFFFFFFFF  }
0xa7: {  	s26 =	simm.s32 $execute0_lowered;
	[smem:$0x3FD2] =	sst s25  }
0xa8: {  	s6 =	sshll.u32 s26, $0x1;
	_ =	strace $0x80000046;
	[dreg:$0x1] =	wrdreg $0xFFFFFFFF  }
0xa9: {  	s28 =	simm.s32 $_size_execute0_lowered;
	s5 =	sadd.s32 s5, s6;
	[dreg:$0x0] =	wrdreg $0x0  }
0xaa: {  	s6 =	sshll.u32 s28, $0x1;
	[dreg:$0x2] =	wrdreg s5  }
0xab: {  	[dreg:$0x3] =	wrdreg s6  }
0xac: {  	[dreg:$0x4] =	wrdreg $0xC0  }
0xad: {  	_ =	task [dreg:s9], $0x5FFFF  }
0xae: {  	[dreg:$0x1] =	wrdreg $0xFFFFFFFF  }
0xaf: {  	[dreg:$0x0] =	wrdreg $0x60  }
0xb0: {  	[dreg:$0x2] =	wrdreg s2  }
0xb1: {  	[dreg:$0x3] =	wrdreg s19  }
0xb2: {  	[dreg:$0x4] =	wrdreg s4  }
0xb3: {  	[dreg:$0x5] =	wrdreg $0x9  }
0xb4: {  	_ =	task.clear_ibuf [dreg:s9], $0x6FFFF;
	_ =	strace $0x90000046  }
0xb5: {  	s29 =	simm.s32 $0x9;
	_ =	strace $0x80000051  }
0xb6: {  	_ =	swait.ge [sflag:s29], $0x1  }
0xb7: {  	[sflag:s29] =	ssyncadd.s32 $0xFFFFFFFF  }
0xb8: {  	_ =	strace $0x90000051  }
0xb9: {  	_ =	sfence  }
0xba: {  	s30 =	sld [smem:$0x0];
	_ =	sdelay $0x2  }
0xbb: {  	s31 =	sshll.u32 s1, $0xD;
	s1 =	sshrl.u32 s1, $0x2  }
0xbc: {  	s3 =	sand.u32 $0x4000, s31;
	s1 =	sadd.s32 s1, s30  }
0xbd: {  	s0 =	sor.u32 s3, s0;
	s1 =	sshll.u32 s1, $0x11  }
0xbe: {  	s0 =	sor.u32 s1, s0  }
0xbf: {  	s0 =	sadd.s32 $0x8F2B, s0  }
0xc0: {  	[sflag:s0] =	ssyncadd.remote.s32 $0x1  }
0xc1: {  	_ =	sfence.sel $0xFFFF  }
0xc2: {  	[dreg:$0x0] =	wrdreg $0xFFFFFFFF;
	(pc) =	sbr.abs _section_cstart, $3  }
0xc3: {  	[dreg:$0x1] =	wrdreg $0xFFFFFFFF  }
0xc4: {  	_ =	task.clear_ibuf [dreg:s9], $0x2FFFF;
	_ =	strace $0x9FFFFFFF  }
0xc5: {  	(tm) =	ssettm $0x7FFFFFFF  }
tec
execute0_lowered:
.L_overlay_start_1:
0x0: {  	(tag) =	ssettag $0x1  }
0x1: {  	s3 =	rddreg [dreg:$0x0];
	s0 =	srdreg.scid  }
0x2: {  	s2 =	simm.s32 $0x0;
	s5 =	stileid.u32;
	s0 =	sand.u32 $0x1, s0  }
0x3: {  	[smem:$0x7FF] =	sst s2;
	s1 =	ssub.s32 $0x2, s0;
	s0 =	sshll.u32 s0, $0x4  }
0x4: {  	s4 =	rddreg [dreg:$0x1];
	_ =	strace $0x80000047;
	s0 =	sor.u32 s5, s0  }
0x5: {  	s26 =	sshrl.u32 s1, $0x1;
	s28 =	sshll.u32 s0, $0xD;
	s0 =	sshll.u32 s0, $0x5  }
0x6: {  	s1 =	ssub.s32 s1, s26;
	[dreg:$0x4] =	wrdreg s0;
	s2 =	sadd.s32 s4, s28  }
0x7: {  	s1 =	smax.u32 s1, $0x1;
	[dreg:$0x6] =	wrdreg s2  }
0x8: {  	s29 =	sadd.s32 s3, s28;
	[dreg:$0x7] =	wrdreg s1  }
0x9: {  	s30 =	sadd.s32 $0x40000, s29;
	[dreg:$0x5] =	wrdreg s29  }
0xa: {  	s31 =	sadd.s32 $0x80000, s29;
	[dreg:$0x8] =	wrdreg s30  }
0xb: {  	s0 =	sadd.s32 $0xC0000, s29;
	[dreg:$0x9] =	wrdreg s31  }
0xc: {  	s1 =	simm.s32 $0x0;
	[dreg:$0xa] =	wrdreg s0  }
.LBB2_1:
0xd: {  	[dreg:$0xb] =	wrdreg s1  }
0xe: {  	_ =	strace $0x80000048  }
0xf: {  	s0 =	simm.s32 $0x0;
	s2 =	simm.s32 $0x100;
	s20 =	rddreg [dreg:$0x5]  }
0x10: {  	s3 =	simm.s32 $0x400;
	s22 =	simm.s32 $0x800;
	s21 =	rddreg [dreg:$0x8]  }
0x11: {  	[tilespmem:s0], [sflag:$0x1] =	stream.strided.gather [hbm4b:s20+s2], $0x800, s3, s2, $0x200038;
	[tilespmem:$0x9000] =	vst v63  }
0x12: {  	s24 =	simm.s32 $0x1000;
	s26 =	simm.s32 $0x1800;
	s23 =	rddreg [dreg:$0x9]  }
0x13: {  	[tilespmem:s22], [sflag:$0x1] =	stream.strided.gather [hbm4b:s21+s2], $0x800, s3, s2, $0x200038;
	[tilespmem:$0x9000] =	vst v63  }
0x14: {  	s31 =	simm.s32 $0x4000;
	s30 =	simm.s32 $0x0;
	s25 =	rddreg [dreg:$0xa]  }
0x15: {  	[tilespmem:s24], [sflag:$0x1] =	stream.strided.gather [hbm4b:s23+s2], $0x800, s3, s2, $0x200038;
	[tilespmem:$0x9000] =	vst v63  }
0x16: {  	s8 =	simm.s32 $0x1;
	s28 =	simm.s32 $0x0;
	s29 =	rddreg [dreg:$0x6]  }
0x17: {  	[tilespmem:s26], [sflag:$0x1] =	stream.strided.gather [hbm4b:s25+s2], $0x800, s3, s2, $0x200038;
	[tilespmem:$0x9000] =	vst v63  }
0x18: {  	s21 =	simm.s32 $0x0;
	s22 =	simm.s32 $0x0;
	s23 =	simm.s32 $0x0  }
0x19: {  	[tilespmem:s31], [sflag:$0x3] =	stream.strided.gather [hbm4b:s29+s2], $0x800, s3, s2, $0x200038;
	[tilespmem:$0x9000] =	vst v63  }
0x1a: {  	s24 =	simm.s32 $0x1;
	s25 =	simm.s32 $0x0;
	_ =	strace $0x90000048  }
.LBB2_2:
0x1b: {  	s29 =	sadd.s32 $0x1, s30  }
0x1c: {  	p0 =	seq.s32 s29, $0x20  }
0x1d: {  	s29 =	simm.s32 @p0 $0x0;
	p0 =	seq.s32 s28, $0x1F  }
0x1e: {  	p1 =	seq.s32 @!p0 s30, s29  }
0x1f: {  	s13 =	rddreg [dreg:$0x4];
	p2 =	por p1, p0  }
0x20: {  	s0 =	sadd.s32 @!p2 s13, s29  }
0x21: {  	s1 =	sshll.u32 @!p2 s29, $0x8;
	s0 =	sshll.u32 @!p2 s0, $0xB  }
0x22: {  	_ =	strace @!p2 $0x80000049;
	s1 =	sand.u32 @!p2 $0x300, s1;
	s0 =	sand.u32 @!p2 $0xFFFFE000, s0  }
0x23: {  	s2 =	sand.u32 @!p2 $0x1, s8;
	s4 =	simm.s32 @!p2 $0x100;
	s0 =	sor.u32 @!p2 s1, s0  }
0x24: {  	s5 =	simm.s32 @!p2 $0x400;
	s3 =	rddreg [dreg:$0x0];
	s0 =	sshrl.u32 @!p2 s0, $0x3  }
0x25: {  	s1 =	sadd.s32 @!p2 $0x1, s2;
	s2 =	sshll.u32 @!p2 s2, $0xD;
	s3 =	sadd.s32 @!p2 s3, s0  }
0x26: {  	[tilespmem:s2], [sflag:s1] =	stream.strided.gather @!p2 [hbm4b:s3+s4], $0x800, s5, s4, $0x200038;
	[tilespmem:$0x9000] =	vst v63  }
0x27: {  	s7 =	sor.u32 @!p2 $0x800, s2;
	s6 =	sadd.s32 @!p2 $0x40000, s3  }
0x28: {  	[tilespmem:s7], [sflag:s1] =	stream.strided.gather @!p2 [hbm4b:s6+s4], $0x800, s5, s4, $0x200038;
	[tilespmem:$0x9000] =	vst v63  }
0x29: {  	s6 =	sadd.s32 @!p2 $0x80000, s3;
	s7 =	sor.u32 @!p2 $0x1000, s2  }
0x2a: {  	[tilespmem:s7], [sflag:s1] =	stream.strided.gather @!p2 [hbm4b:s6+s4], $0x800, s5, s4, $0x200038;
	[tilespmem:$0x9000] =	vst v63  }
0x2b: {  	s3 =	sadd.s32 @!p2 $0xC0000, s3;
	s2 =	sor.u32 @!p2 $0x1800, s2  }
0x2c: {  	[tilespmem:s2], [sflag:s1] =	stream.strided.gather @!p2 [hbm4b:s3+s4], $0x800, s5, s4, $0x200038;
	[tilespmem:$0x9000] =	vst v63  }
0x2d: {  	_ =	strace @!p2 $0x90000049  }
0x2e: {  	s1 =	sand.u32 @!p2 $0x1, s24;
	_ =	strace @!p2 $0x8000004A  }
0x2f: {  	s2 =	sshll.u32 @!p2 s1, $0xB;
	s3 =	rddreg [dreg:$0x1]  }
0x30: {  	s1 =	sadd.s32 @!p2 $0x3, s1;
	s2 =	sor.u32 @!p2 $0x4000, s2;
	s0 =	sadd.s32 @!p2 s3, s0  }
0x31: {  	[tilespmem:s2], [sflag:s1] =	stream.strided.gather @!p2 [hbm4b:s0+s4], $0x800, s5, s4, $0x200038;
	[tilespmem:$0x9000] =	vst v63  }
0x32: {  	s10 =	sand.u32 $0x1, s25;
	_ =	strace @!p2 $0x9000004A  }
0x33: {  	s0 =	sadd.s32 $0x1, s10;
	_ =	strace $0x8000004B  }
0x34: {  	_ =	swait.ge [sflag:s0], $0x2000  }
0x35: {  	[sflag:s0] =	ssyncset.done $0x0  }
0x36: {  	s11 =	sshll.u32 s23, $0xB;
	s12 =	sand.u32 $0x1, s23;
	[sflag:s0] =	ssyncadd.s32 $0xFFFFE000  }
0x37: {  	s14 =	sshll.u32 s25, $0xD;
	s0 =	sand.u32 $0x800, s11;
	_ =	strace $0x9000004B  }
0x38: {  	s1 =	sadd.s32 $0x3, s12;
	s0 =	sor.u32 $0x4000, s0;
	_ =	strace $0x8000004C  }
0x39: {  	s15 =	sand.u32 $0x2000, s14;
	v1 =	vmov s0;
	_ =	swait.ge [sflag:s1], $0x800  }
0x3a: {  	s16 =	simm.s32 $0x0;
	s17 =	simm.s32 $0x0;
	v3 =	vmov s15;
	[sflag:s1] =	ssyncset.done $0x0  }
0x3b: {  	s18 =	sand.u32 $0x40, s17;
	s0 =	sand.u32 $0x700, s16;
	[sflag:s1] =	ssyncadd.s32 $0xFFFFF800  }
0x3c: {  	s20 =	sand.u32 $0x1, s22;
	s1 =	sor.u32 s18, s0;
	_ =	strace $0x9000004C  }
0x3d: {  	s31 =	sshll.u32 s20, $0xD;
	s19 =	sor.u32 $0x30, s1;
	_ =	strace $0x8000004D  }
0x3e: {  	s0 =	sor.u32 $0x5000, s31;
	v9 =	vld.idx.msk [tilespmem:v1+s19+$0x0 ss:$0x1], $0xffff;
	[dreg:$0xd] =	wrdreg s20  }
0x3f: {  	v0 =	vld.idx.msk [tilespmem:v3+s19+$0x0 ss:$0x1], $0xffff;
	[dreg:$0xc] =	wrdreg s0  }
0x40: {  	s7 =	sor.u32 $0x10, s1;
	v11 =	vld.idx.msk [tilespmem:v1+s1+$0x0 ss:$0x1], $0xffff  }
0x41: {  	v10 =	vld.idx.msk [tilespmem:v1+s7+$0x0 ss:$0x1], $0xffff  }
0x42: {  	s5 =	sor.u32 $0x800, s15;
	v5 =	vmov s0;
	s11 =	sor.u32 $0x20, s1;
	v2 =	vld.idx.msk [tilespmem:v3+s7+$0x0 ss:$0x1], $0xffff  }
0x43: {  	v8 =	vmov s5;
	v12 =	vld.idx.msk [tilespmem:v1+s11+$0x0 ss:$0x1], $0xffff  }
0x44: {  	v4 =	vld.idx.msk [tilespmem:v3+s11+$0x0 ss:$0x1], $0xffff  }
0x45: {  	v13 =	vld.idx.msk [tilespmem:v3+s1+$0x0 ss:$0x1], $0xffff;
	v0 =	vadd.f32 v0, v9;
	_ =	sdelay $0x1  }
0x46: {  	v2 =	vadd.f32 v2, v10;
	[tilespmem:v5+s19+$0x0 ss:$0x1] =	vst.idx.msk $0xffff, v0  }
0x47: {  	v0 =	vld.idx.msk [tilespmem:v8+s19+$0x0 ss:$0x1], $0xffff  }
0x48: {  	s4 =	sor.u32 $0x5800, s31;
	v4 =	vadd.f32 v4, v12;
	[tilespmem:v5+s7+$0x0 ss:$0x1] =	vst.idx.msk $0xffff, v2  }
0x49: {  	s9 =	sor.u32 $0x1000, s15;
	v6 =	vmov s4;
	v2 =	vadd.f32 v13, v11;
	v13 =	vld.idx.msk [tilespmem:v8+s7+$0x0 ss:$0x1], $0xffff  }
0x4a: {  	v7 =	vmov s9;
	[tilespmem:v5+s11+$0x0 ss:$0x1] =	vst.idx.msk $0xffff, v4  }
0x4b: {  	v14 =	vld.idx.msk [tilespmem:v8+s11+$0x0 ss:$0x1], $0xffff;
	[tilespmem:v5+s1+$0x0 ss:$0x1] =	vst.idx.msk $0xffff, v2  }
0x4c: {  	s3 =	sor.u32 $0x1800, s15;
	v15 =	vld.idx.msk [tilespmem:v8+s1+$0x0 ss:$0x1], $0xffff;
	v0 =	vadd.f32 v0, v9  }
0x4d: {  	p3 =	por $0x0, $0x0;
	v2 =	vmov s3;
	s3 =	simm.s32 $0x1  }
0x4e: {  	s12 =	sadd.s32 $0x6000, s31;
	s10 =	simm.s32 $0x40;
	s3 =	simm.s32 @!p3 $0x0;
	v13 =	vadd.f32 v13, v10;
	[tilespmem:v6+s19+$0x0 ss:$0x1] =	vst.idx.msk $0xffff, v0  }
0x4f: {  	s16 =	simm.s32 $0x80;
	s3 =	sshll.u32 s3, $0x6;
	v0 =	vld.idx.msk [tilespmem:v7+s19+$0x0 ss:$0x1], $0xffff;
	[dreg:$0xe] =	wrdreg s12  }
0x50: {  	s17 =	sand.u32 $0x40, s10;
	s2 =	sand.u32 $0x700, s16;
	s14 =	sadd.s32 $0x0, s3;
	[tilespmem:v6+s7+$0x0 ss:$0x1] =	vst.idx.msk $0xffff, v13  }
0x51: {  	s16 =	sor.u32 s17, s2;
	v4 =	vmov s12;
	v14 =	vadd.f32 v14, v12;
	s3 =	sadd.s32 $0x30, s14;
	v13 =	vadd.f32 v15, v11;
	v15 =	vld.idx.msk [tilespmem:v7+s7+$0x0 ss:$0x1], $0xffff  }
0x52: {  	s9 =	sor.u32 $0x80, s3;
	s3 =	sor.u32 $0x30, s16  }
0x53: {  	[tilespmem:v6+s11+$0x0 ss:$0x1] =	vst.idx.msk $0xffff, v14;
	v19 =	vld.idx.msk [tilespmem:v1+s3+$0x0 ss:$0x1], $0xffff  }
0x54: {  	[tilespmem:v6+s1+$0x0 ss:$0x1] =	vst.idx.msk $0xffff, v13;
	v13 =	vld.idx.msk [tilespmem:v7+s11+$0x0 ss:$0x1], $0xffff;
	v0 =	vadd.f32 v0, v9  }
0x55: {  	s20 =	sor.u32 $0x10, s16;
	v14 =	vld.idx.msk [tilespmem:v7+s1+$0x0 ss:$0x1], $0xffff  }
0x56: {  	v20 =	vld.idx.msk [tilespmem:v1+s20+$0x0 ss:$0x1], $0xffff;
	[tilespmem:v4+s19+$0x0 ss:$0x1] =	vst.idx.msk $0xffff, v0;
	v15 =	vadd.f32 v15, v10  }
0x57: {  	v16 =	vld.idx.msk [tilespmem:v2+s19+$0x0 ss:$0x1], $0xffff  }
0x58: {  	s15 =	sadd.s32 $0x6800, s31;
	v21 =	vld.idx.msk [tilespmem:v3+s20+$0x0 ss:$0x1], $0xffff;
	[tilespmem:v4+s7+$0x0 ss:$0x1] =	vst.idx.msk $0xffff, v15  }
0x59: {  	s12 =	sor.u32 $0x20, s16;
	v0 =	vmov s15;
	v13 =	vadd.f32 v13, v12;
	v15 =	vld.idx.msk [tilespmem:v2+s7+$0x0 ss:$0x1], $0xffff  }
0x5a: {  	v22 =	vld.idx.msk [tilespmem:v1+s12+$0x0 ss:$0x1], $0xffff;
	v14 =	vadd.f32 v14, v11  }
0x5b: {  	v23 =	vld.idx.msk [tilespmem:v3+s16+$0x0 ss:$0x1], $0xffff;
	[tilespmem:v4+s11+$0x0 ss:$0x1] =	vst.idx.msk $0xffff, v13  }
0x5c: {  	[tilespmem:v4+s1+$0x0 ss:$0x1] =	vst.idx.msk $0xffff, v14;
	v13 =	vld.idx.msk [tilespmem:v2+s11+$0x0 ss:$0x1], $0xffff;
	v9 =	vadd.f32 v16, v9  }
0x5d: {  	v16 =	vld.idx.msk [tilespmem:v2+s1+$0x0 ss:$0x1], $0xffff  }
0x5e: {  	[tilespmem:v0+s19+$0x0 ss:$0x1] =	vst.idx.msk $0xffff, v9;
	v10 =	vadd.f32 v15, v10;
	v15 =	vld.idx.msk [tilespmem:v3+s12+$0x0 ss:$0x1], $0xffff  }
0x5f: {  	v18 =	vld.idx.msk [tilespmem:v1+s9+$0x0 ss:$0x1], $0xffff  }
0x60: {  	v9 =	vld.idx.msk [tilespmem:v3+s9+$0x0 ss:$0x1], $0xffff  }
0x61: {  	s18 =	sadd.s32 $0x10, s14;
	v14 =	vld.idx.msk [tilespmem:v1+s16+$0x0 ss:$0x1], $0xffff;
	[tilespmem:v0+s7+$0x0 ss:$0x1] =	vst.idx.msk $0xffff, v10;
	v10 =	vadd.f32 v13, v12  }
0x62: {  	s2 =	sor.u32 $0x80, s18;
	v17 =	vld.idx.msk [tilespmem:v3+s3+$0x0 ss:$0x1], $0xffff;
	s19 =	sadd.s32 $0x20, s14;
	v12 =	vadd.f32 v21, v20  }
0x63: {  	s5 =	sor.u32 $0x80, s19;
	v13 =	vld.idx.msk [tilespmem:v3+s2+$0x0 ss:$0x1], $0xffff;
	v11 =	vadd.f32 v16, v11;
	[tilespmem:v0+s11+$0x0 ss:$0x1] =	vst.idx.msk $0xffff, v10  }
0x64: {  	[tilespmem:v5+s20+$0x0 ss:$0x1] =	vst.idx.msk $0xffff, v12;
	v12 =	vadd.f32 v15, v22;
	v10 =	vld.idx.msk [tilespmem:v1+s5+$0x0 ss:$0x1], $0xffff  }
0x65: {  	v21 =	vld.idx.msk [tilespmem:v8+s20+$0x0 ss:$0x1], $0xffff;
	[tilespmem:v0+s1+$0x0 ss:$0x1] =	vst.idx.msk $0xffff, v11;
	v9 =	vadd.f32 v9, v18  }
0x66: {  	v15 =	vadd.f32 v23, v14;
	[tilespmem:v5+s12+$0x0 ss:$0x1] =	vst.idx.msk $0xffff, v12;
	v12 =	vld.idx.msk [tilespmem:v3+s5+$0x0 ss:$0x1], $0xffff  }
0x67: {  	p3 =	por !p3, !p3;
	s17 =	sor.u32 $0x80, s14;
	s1 =	simm.s32 $0x1;
	[tilespmem:v5+s9+$0x0 ss:$0x1] =	vst.idx.msk $0xffff, v9;
	v9 =	vadd.f32 v17, v19;
	v17 =	vld.idx.msk [tilespmem:v1+s2+$0x0 ss:$0x1], $0xffff  }
0x68: {  	s19 =	simm.s32 $0x100;
	s7 =	simm.s32 $0x80;
	s1 =	simm.s32 @!p3 $0x0;
	[tilespmem:v5+s16+$0x0 ss:$0x1] =	vst.idx.msk $0xffff, v15;
	v24 =	vld.idx.msk [tilespmem:v8+s9+$0x0 ss:$0x1], $0xffff  }
0x69: {  	s18 =	sand.u32 $0x700, s19;
	s14 =	sand.u32 $0x40, s7;
	s1 =	sshll.u32 s1, $0x6;
	v15 =	vld.idx.msk [tilespmem:v8+s12+$0x0 ss:$0x1], $0xffff;
	[tilespmem:v5+s3+$0x0 ss:$0x1] =	vst.idx.msk $0xffff, v9  }
0x6a: {  	s14 =	sor.u32 s14, s18;
	s31 =	sadd.s32 $0x80, s1;
	v9 =	vld.idx.msk [tilespmem:v8+s3+$0x0 ss:$0x1], $0xffff  }
0x6b: {  	s11 =	sor.u32 $0x10, s14;
	v11 =	vld.idx.msk [tilespmem:v8+s16+$0x0 ss:$0x1], $0xffff;
	s1 =	sadd.s32 $0x30, s31;
	v12 =	vadd.f32 v12, v10  }
0x6c: {  	v30 =	vld.idx.msk [tilespmem:v3+s11+$0x0 ss:$0x1], $0xffff;
	s0 =	sor.u32 $0x80, s1;
	s1 =	sor.u32 $0x30, s14;
	v13 =	vadd.f32 v13, v17  }
0x6d: {  	v28 =	vld.idx.msk [tilespmem:v1+s1+$0x0 ss:$0x1], $0xffff;
	v23 =	vadd.f32 v24, v18;
	[tilespmem:v5+s5+$0x0 ss:$0x1] =	vst.idx.msk $0xffff, v12  }
0x6e: {  	[tilespmem:v5+s2+$0x0 ss:$0x1] =	vst.idx.msk $0xffff, v13;
	v13 =	vadd.f32 v15, v22;
	v12 =	vld.idx.msk [tilespmem:v8+s5+$0x0 ss:$0x1], $0xffff  }
0x6f: {  	v16 =	vadd.f32 v9, v19;
	v9 =	vld.idx.msk [tilespmem:v1+s17+$0x0 ss:$0x1], $0xffff;
	[tilespmem:v6+s9+$0x0 ss:$0x1] =	vst.idx.msk $0xffff, v23  }
0x70: {  	v11 =	vadd.f32 v11, v14;
	v24 =	vld.idx.msk [tilespmem:v7+s9+$0x0 ss:$0x1], $0xffff;
	[tilespmem:v6+s12+$0x0 ss:$0x1] =	vst.idx.msk $0xffff, v13  }
0x71: {  	[tilespmem:v6+s3+$0x0 ss:$0x1] =	vst.idx.msk $0xffff, v16;
	v16 =	vld.idx.msk [tilespmem:v3+s17+$0x0 ss:$0x1], $0xffff  }
0x72: {  	[tilespmem:v6+s16+$0x0 ss:$0x1] =	vst.idx.msk $0xffff, v11;
	v11 =	vld.idx.msk [tilespmem:v7+s12+$0x0 ss:$0x1], $0xffff  }
0x73: {  	v21 =	vadd.f32 v21, v20;
	v23 =	vld.idx.msk [tilespmem:v7+s3+$0x0 ss:$0x1], $0xffff  }
0x74: {  	v15 =	vld.idx.msk [tilespmem:v8+s2+$0x0 ss:$0x1], $0xffff;
	v12 =	vadd.f32 v12, v10  }
0x75: {  	v29 =	vld.idx.msk [tilespmem:v3+s1+$0x0 ss:$0x1], $0xffff;
	[tilespmem:v6+s20+$0x0 ss:$0x1] =	vst.idx.msk $0xffff, v21  }
0x76: {  	v21 =	vld.idx.msk [tilespmem:v7+s20+$0x0 ss:$0x1], $0xffff;
	[tilespmem:v6+s5+$0x0 ss:$0x1] =	vst.idx.msk $0xffff, v12;
	v13 =	vadd.f32 v16, v9  }
0x77: {  	v11 =	vadd.f32 v11, v22;
	v25 =	vld.idx.msk [tilespmem:v7+s5+$0x0 ss:$0x1], $0xffff  }
0x78: {  	v16 =	vadd.f32 v23, v19;
	v23 =	vadd.f32 v24, v18;
	v24 =	vld.idx.msk [tilespmem:v7+s16+$0x0 ss:$0x1], $0xffff;
	[tilespmem:v5+s17+$0x0 ss:$0x1] =	vst.idx.msk $0xffff, v13  }
0x79: {  	v13 =	vadd.f32 v15, v17;
	[tilespmem:v4+s12+$0x0 ss:$0x1] =	vst.idx.msk $0xffff, v11;
	v15 =	vld.idx.msk [tilespmem:v8+s17+$0x0 ss:$0x1], $0xffff  }
0x7a: {  	[tilespmem:v4+s3+$0x0 ss:$0x1] =	vst.idx.msk $0xffff, v16;
	v26 =	vld.idx.msk [tilespmem:v2+s12+$0x0 ss:$0x1], $0xffff  }
0x7b: {  	[tilespmem:v4+s9+$0x0 ss:$0x1] =	vst.idx.msk $0xffff, v23;
	v16 =	vadd.f32 v21, v20;
	v21 =	vld.idx.msk [tilespmem:v2+s3+$0x0 ss:$0x1], $0xffff  }
0x7c: {  	v23 =	vld.idx.msk [tilespmem:v2+s9+$0x0 ss:$0x1], $0xffff;
	[tilespmem:v6+s2+$0x0 ss:$0x1] =	vst.idx.msk $0xffff, v13  }
0x7d: {  	[tilespmem:v4+s20+$0x0 ss:$0x1] =	vst.idx.msk $0xffff, v16;
	v13 =	vld.idx.msk [tilespmem:v7+s2+$0x0 ss:$0x1], $0xffff;
	v16 =	vadd.f32 v24, v14  }
0x7e: {  	v24 =	vld.idx.msk [tilespmem:v2+s20+$0x0 ss:$0x1], $0xffff  }
0x7f: {  	s10 =	sor.u32 $0x20, s14;
	[tilespmem:v4+s16+$0x0 ss:$0x1] =	vst.idx.msk $0xffff, v16;
	v16 =	vld.idx.msk [tilespmem:v1+s11+$0x0 ss:$0x1], $0xffff  }
0x80: {  	v11 =	vadd.f32 v15, v9;
	v15 =	vld.idx.msk [tilespmem:v1+s10+$0x0 ss:$0x1], $0xffff  }
0x81: {  	v12 =	vadd.f32 v21, v19;
	v19 =	vld.idx.msk [tilespmem:v2+s16+$0x0 ss:$0x1], $0xffff  }
0x82: {  	v18 =	vadd.f32 v23, v18;
	v23 =	vld.idx.msk [tilespmem:v3+s14+$0x0 ss:$0x1], $0xffff  }
0x83: {  	[tilespmem:v0+s3+$0x0 ss:$0x1] =	vst.idx.msk $0xffff, v12;
	v12 =	vld.idx.msk [tilespmem:v1+s14+$0x0 ss:$0x1], $0xffff  }
0x84: {  	[tilespmem:v6+s17+$0x0 ss:$0x1] =	vst.idx.msk $0xffff, v11;
	v20 =	vadd.f32 v24, v20;
	v27 =	vld.idx.msk [tilespmem:v1+s0+$0x0 ss:$0x1], $0xffff  }
0x85: {  	[tilespmem:v0+s9+$0x0 ss:$0x1] =	vst.idx.msk $0xffff, v18;
	v18 =	vadd.f32 v26, v22;
	v11 =	vld.idx.msk [tilespmem:v3+s0+$0x0 ss:$0x1], $0xffff  }
0x86: {  	s18 =	sadd.s32 $0x10, s31;
	v24 =	vld.idx.msk [tilespmem:v3+s10+$0x0 ss:$0x1], $0xffff;
	[tilespmem:v0+s20+$0x0 ss:$0x1] =	vst.idx.msk $0xffff, v20;
	v20 =	vadd.f32 v29, v28  }
0x87: {  	s18 =	sor.u32 $0x80, s18;
	v21 =	vld.idx.msk [tilespmem:v7+s17+$0x0 ss:$0x1], $0xffff;
	s20 =	sadd.s32 $0x20, s31;
	[tilespmem:v0+s12+$0x0 ss:$0x1] =	vst.idx.msk $0xffff, v18  }
0x88: {  	v22 =	vadd.f32 v30, v16;
	s9 =	sor.u32 $0x80, s20;
	[tilespmem:v5+s1+$0x0 ss:$0x1] =	vst.idx.msk $0xffff, v20;
	v20 =	vld.idx.msk [tilespmem:v3+s18+$0x0 ss:$0x1], $0xffff  }
0x89: {  	v26 =	vadd.f32 v13, v17;
	v13 =	vld.idx.msk [tilespmem:v1+s9+$0x0 ss:$0x1], $0xffff;
	v23 =	vadd.f32 v23, v12  }
0x8a: {  	[tilespmem:v5+s11+$0x0 ss:$0x1] =	vst.idx.msk $0xffff, v22;
	v18 =	vld.idx.msk [tilespmem:v8+s1+$0x0 ss:$0x1], $0xffff;
	v11 =	vadd.f32 v11, v27  }
0x8b: {  	v22 =	vadd.f32 v24, v15;
	v24 =	vld.idx.msk [tilespmem:v8+s11+$0x0 ss:$0x1], $0xffff;
	[tilespmem:v5+s14+$0x0 ss:$0x1] =	vst.idx.msk $0xffff, v23  }
0x8c: {  	v14 =	vadd.f32 v19, v14;
	[tilespmem:v5+s0+$0x0 ss:$0x1] =	vst.idx.msk $0xffff, v11;
	v11 =	vld.idx.msk [tilespmem:v1+s18+$0x0 ss:$0x1], $0xffff  }
0x8d: {  	v23 =	vadd.f32 v25, v10;
	v25 =	vld.idx.msk [tilespmem:v8+s14+$0x0 ss:$0x1], $0xffff  }
0x8e: {  	[tilespmem:v0+s16+$0x0 ss:$0x1] =	vst.idx.msk $0xffff, v14;
	v62 =	vld.idx.msk [tilespmem:v8+s0+$0x0 ss:$0x1], $0xffff  }
0x8f: {  	[tilespmem:v5+s10+$0x0 ss:$0x1] =	vst.idx.msk $0xffff, v22;
	v22 =	vld.idx.msk [tilespmem:v3+s9+$0x0 ss:$0x1], $0xffff;
	v18 =	vadd.f32 v18, v28  }
0x90: {  	s12 =	sor.u32 $0x80, s31;
	v19 =	vld.idx.msk [tilespmem:v8+s10+$0x0 ss:$0x1], $0xffff;
	[tilespmem:v4+s5+$0x0 ss:$0x1] =	vst.idx.msk $0xffff, v23;
	v23 =	vadd.f32 v24, v16  }
0x91: {  	v14 =	vld.idx.msk [tilespmem:v1+s12+$0x0 ss:$0x1], $0xffff;
	[tilespmem:v6+s1+$0x0 ss:$0x1] =	vst.idx.msk $0xffff, v18  }
0x92: {  	v18 =	vld.idx.msk [tilespmem:v3+s12+$0x0 ss:$0x1], $0xffff;
	[tilespmem:v6+s11+$0x0 ss:$0x1] =	vst.idx.msk $0xffff, v23;
	v20 =	vadd.f32 v20, v11  }
0x93: {  	[tilespmem:v4+s2+$0x0 ss:$0x1] =	vst.idx.msk $0xffff, v26;
	v24 =	vadd.f32 v25, v12;
	v25 =	vld.idx.msk [tilespmem:v7+s11+$0x0 ss:$0x1], $0xffff;
	v26 =	vadd.f32 v62, v27  }
0x94: {  	v22 =	vadd.f32 v22, v13;
	[tilespmem:v5+s18+$0x0 ss:$0x1] =	vst.idx.msk $0xffff, v20;
	v20 =	vld.idx.msk [tilespmem:v7+s1+$0x0 ss:$0x1], $0xffff  }
0x95: {  	v19 =	vadd.f32 v19, v15;
	[tilespmem:v6+s0+$0x0 ss:$0x1] =	vst.idx.msk $0xffff, v26;
	v23 =	vld.idx.msk [tilespmem:v8+s18+$0x0 ss:$0x1], $0xffff  }
0x96: {  	[tilespmem:v5+s9+$0x0 ss:$0x1] =	vst.idx.msk $0xffff, v22;
	v26 =	vld.idx.msk [tilespmem:v7+s0+$0x0 ss:$0x1], $0xffff  }
0x97: {  	v21 =	vadd.f32 v21, v9;
	[tilespmem:v6+s10+$0x0 ss:$0x1] =	vst.idx.msk $0xffff, v19;
	v19 =	vld.idx.msk [tilespmem:v8+s9+$0x0 ss:$0x1], $0xffff  }
0x98: {  	[tilespmem:v6+s14+$0x0 ss:$0x1] =	vst.idx.msk $0xffff, v24;
	v24 =	vld.idx.msk [tilespmem:v7+s10+$0x0 ss:$0x1], $0xffff;
	v18 =	vadd.f32 v18, v14  }
0x99: {  	[tilespmem:v4+s17+$0x0 ss:$0x1] =	vst.idx.msk $0xffff, v21;
	v20 =	vadd.f32 v20, v28  }
0x9a: {  	[tilespmem:v5+s12+$0x0 ss:$0x1] =	vst.idx.msk $0xffff, v18;
	v18 =	vadd.f32 v23, v11;
	v23 =	vld.idx.msk [tilespmem:v2+s2+$0x0 ss:$0x1], $0xffff  }
0x9b: {  	v22 =	vadd.f32 v26, v27;
	v26 =	vld.idx.msk [tilespmem:v7+s14+$0x0 ss:$0x1], $0xffff;
	[tilespmem:v4+s1+$0x0 ss:$0x1] =	vst.idx.msk $0xffff, v20  }
0x9c: {  	v20 =	vld.idx.msk [tilespmem:v8+s12+$0x0 ss:$0x1], $0xffff;
	[tilespmem:v6+s18+$0x0 ss:$0x1] =	vst.idx.msk $0xffff, v18;
	v18 =	vadd.f32 v19, v13  }
0x9d: {  	v19 =	vadd.f32 v24, v15;
	[tilespmem:v4+s0+$0x0 ss:$0x1] =	vst.idx.msk $0xffff, v22;
	v22 =	vadd.f32 v25, v16;
	v25 =	vld.idx.msk [tilespmem:v2+s1+$0x0 ss:$0x1], $0xffff  }
0x9e: {  	v21 =	vld.idx.msk [tilespmem:v2+s0+$0x0 ss:$0x1], $0xffff;
	[tilespmem:v6+s9+$0x0 ss:$0x1] =	vst.idx.msk $0xffff, v18  }
0x9f: {  	s6 =	sadd.s32 @!p2 $0x1, s8;
	v63 =	vld.idx.msk [tilespmem:v7+s18+$0x0 ss:$0x1], $0xffff;
	[tilespmem:v4+s10+$0x0 ss:$0x1] =	vst.idx.msk $0xffff, v19  }
0xa0: {  	p2 =	por !p1, p0;
	p1 =	por !p3, !p3;
	s31 =	simm.s32 $0x1;
	[tilespmem:v4+s11+$0x0 ss:$0x1] =	vst.idx.msk $0xffff, v22;
	v19 =	vld.idx.msk [tilespmem:v7+s9+$0x0 ss:$0x1], $0xffff;
	v24 =	vadd.f32 v26, v12  }
0xa1: {  	s31 =	simm.s32 @!p1 $0x0;
	v22 =	vld.idx.msk [tilespmem:v2+s11+$0x0 ss:$0x1], $0xffff;
	v20 =	vadd.f32 v20, v14  }
0xa2: {  	s26 =	smov.u32 s8;
	s8 =	smov.u32 @p2 s6;
	s31 =	sshll.u32 s31, $0x6;
	v17 =	vadd.f32 v23, v17;
	[tilespmem:v4+s14+$0x0 ss:$0x1] =	vst.idx.msk $0xffff, v24;
	v24 =	vld.idx.msk [tilespmem:v2+s10+$0x0 ss:$0x1], $0xffff  }
0xa3: {  	s8 =	smov.u32 @p0 s26;
	s16 =	simm.s32 $0x0;
	s3 =	sadd.s32 $0x100, s31;
	[tilespmem:v6+s12+$0x0 ss:$0x1] =	vst.idx.msk $0xffff, v20;
	v20 =	vld.idx.msk [tilespmem:v2+s17+$0x0 ss:$0x1], $0xffff;
	v18 =	vadd.f32 v21, v27  }
0xa4: {  	s20 =	sadd.s32 s13, s30;
	s16 =	simm.s32 @p2 $0x1;
	s6 =	sadd.s32 $0x20, s3;
	[tilespmem:v0+s2+$0x0 ss:$0x1] =	vst.idx.msk $0xffff, v17;
	v17 =	vadd.f32 v25, v28;
	v23 =	vld.idx.msk [tilespmem:v2+s14+$0x0 ss:$0x1], $0xffff  }
0xa5: {  	s26 =	sadd.s32 $0x30, s3;
	s16 =	simm.s32 @p0 $0x0;
	s2 =	sadd.s32 $0x10, s3;
	v21 =	vld.idx.msk [tilespmem:v2+s5+$0x0 ss:$0x1], $0xffff;
	[tilespmem:v0+s0+$0x0 ss:$0x1] =	vst.idx.msk $0xffff, v18;
	v18 =	vadd.f32 v63, v11  }
.LBB2_3:
0xa6: {  	s7 =	sadd.s32 $0x40, s7;
	v16 =	vadd.f32 v22, v16;
	[tilespmem:v0+s1+$0x0 ss:$0x1] =	vst.idx.msk $0xffff, v17;
	s26 =	sor.u32 $0x80, s26;
	s19 =	sadd.s32 $0x80, s19;
	v22 =	vld.idx.msk [tilespmem:v7+s12+$0x0 ss:$0x1], $0xffff  }
0xa7: {  	s2 =	sor.u32 $0x80, s2;
	s1 =	sand.u32 $0x40, s7;
	s31 =	sand.u32 $0x700, s19;
	v17 =	vld.idx.msk [tilespmem:v1+s26+$0x0 ss:$0x1], $0xffff;
	[tilespmem:v4+s18+$0x0 ss:$0x1] =	vst.idx.msk $0xffff, v18;
	v18 =	vadd.f32 v19, v13  }
0xa8: {  	s3 =	sor.u32 $0x80, s3;
	s6 =	sor.u32 $0x80, s6;
	v15 =	vadd.f32 v24, v15;
	s31 =	sor.u32 s1, s31;
	[tilespmem:v0+s11+$0x0 ss:$0x1] =	vst.idx.msk $0xffff, v16;
	v19 =	vld.idx.msk [tilespmem:v3+s26+$0x0 ss:$0x1], $0xffff  }
0xa9: {  	v16 =	vadd.f32 v23, v12;
	s11 =	sor.u32 $0x10, s31;
	s0 =	sor.u32 $0x20, s31;
	s1 =	sor.u32 $0x30, s31;
	v12 =	vld.idx.msk [tilespmem:v1+s31+$0x0 ss:$0x1], $0xffff;
	[tilespmem:v4+s9+$0x0 ss:$0x1] =	vst.idx.msk $0xffff, v18  }
0xaa: {  	p2 =	slt.u32 s7, $0x3C0;
	v18 =	vld.idx.msk [tilespmem:v1+s1+$0x0 ss:$0x1], $0xffff;
	[tilespmem:v0+s10+$0x0 ss:$0x1] =	vst.idx.msk $0xffff, v15;
	v15 =	vadd.f32 v21, v10;
	v10 =	vmov v13;
	s10 =	smov.u32 s0  }
0xab: {  	v20 =	vadd.f32 v20, v9;
	v9 =	vmov v14;
	v13 =	vld.idx.msk [tilespmem:v3+s1+$0x0 ss:$0x1], $0xffff;
	[tilespmem:v0+s14+$0x0 ss:$0x1] =	vst.idx.msk $0xffff, v16;
	s14 =	smov.u32 s31  }
0xac: {  	v14 =	vadd.f32 v22, v9;
	v16 =	vld.idx.msk [tilespmem:v1+s11+$0x0 ss:$0x1], $0xffff;
	[tilespmem:v0+s5+$0x0 ss:$0x1] =	vst.idx.msk $0xffff, v15;
	s5 =	smov.u32 s9;
	s9 =	smov.u32 s6  }
0xad: {  	v21 =	vld.idx.msk [tilespmem:v3+s11+$0x0 ss:$0x1], $0xffff;
	[tilespmem:v0+s17+$0x0 ss:$0x1] =	vst.idx.msk $0xffff, v20;
	s17 =	smov.u32 s12;
	s12 =	smov.u32 s3  }
0xae: {  	v19 =	vadd.f32 v19, v17;
	v15 =	vld.idx.msk [tilespmem:v1+s10+$0x0 ss:$0x1], $0xffff;
	[tilespmem:v4+s17+$0x0 ss:$0x1] =	vst.idx.msk $0xffff, v14  }
0xaf: {  	v14 =	vld.idx.msk [tilespmem:v3+s10+$0x0 ss:$0x1], $0xffff  }
0xb0: {  	v20 =	vld.idx.msk [tilespmem:v3+s14+$0x0 ss:$0x1], $0xffff;
	[tilespmem:v5+s26+$0x0 ss:$0x1] =	vst.idx.msk $0xffff, v19  }
0xb1: {  	v13 =	vadd.f32 v13, v18;
	v19 =	vld.idx.msk [tilespmem:v8+s26+$0x0 ss:$0x1], $0xffff  }
0xb2: {  	v23 =	vld.idx.msk [tilespmem:v1+s2+$0x0 ss:$0x1], $0xffff  }
0xb3: {  	v21 =	vadd.f32 v21, v16;
	[tilespmem:v5+s1+$0x0 ss:$0x1] =	vst.idx.msk $0xffff, v13;
	v22 =	vld.idx.msk [tilespmem:v3+s2+$0x0 ss:$0x1], $0xffff  }
0xb4: {  	v24 =	vld.idx.msk [tilespmem:v8+s1+$0x0 ss:$0x1], $0xffff  }
0xb5: {  	v14 =	vadd.f32 v14, v15;
	[tilespmem:v5+s11+$0x0 ss:$0x1] =	vst.idx.msk $0xffff, v21;
	v13 =	vld.idx.msk [tilespmem:v1+s9+$0x0 ss:$0x1], $0xffff  }
0xb6: {  	v20 =	vadd.f32 v20, v12;
	v21 =	vld.idx.msk [tilespmem:v8+s11+$0x0 ss:$0x1], $0xffff  }
0xb7: {  	[tilespmem:v5+s10+$0x0 ss:$0x1] =	vst.idx.msk $0xffff, v14;
	v25 =	vld.idx.msk [tilespmem:v3+s9+$0x0 ss:$0x1], $0xffff;
	v14 =	vadd.f32 v19, v17  }
0xb8: {  	[tilespmem:v5+s14+$0x0 ss:$0x1] =	vst.idx.msk $0xffff, v20;
	v19 =	vld.idx.msk [tilespmem:v8+s10+$0x0 ss:$0x1], $0xffff  }
0xb9: {  	v22 =	vadd.f32 v22, v23;
	v20 =	vld.idx.msk [tilespmem:v8+s14+$0x0 ss:$0x1], $0xffff;
	[tilespmem:v6+s26+$0x0 ss:$0x1] =	vst.idx.msk $0xffff, v14  }
0xba: {  	v24 =	vadd.f32 v24, v18;
	v26 =	vld.idx.msk [tilespmem:v7+s26+$0x0 ss:$0x1], $0xffff  }
0xbb: {  	v14 =	vld.idx.msk [tilespmem:v1+s12+$0x0 ss:$0x1], $0xffff;
	[tilespmem:v5+s2+$0x0 ss:$0x1] =	vst.idx.msk $0xffff, v22  }
0xbc: {  	v21 =	vadd.f32 v21, v16;
	[tilespmem:v6+s1+$0x0 ss:$0x1] =	vst.idx.msk $0xffff, v24;
	v22 =	vld.idx.msk [tilespmem:v3+s12+$0x0 ss:$0x1], $0xffff  }
0xbd: {  	v25 =	vadd.f32 v25, v13;
	v24 =	vld.idx.msk [tilespmem:v7+s1+$0x0 ss:$0x1], $0xffff  }
0xbe: {  	v19 =	vadd.f32 v19, v15;
	[tilespmem:v6+s11+$0x0 ss:$0x1] =	vst.idx.msk $0xffff, v21;
	v21 =	vld.idx.msk [tilespmem:v8+s2+$0x0 ss:$0x1], $0xffff  }
0xbf: {  	v20 =	vadd.f32 v20, v12;
	v27 =	vld.idx.msk [tilespmem:v7+s11+$0x0 ss:$0x1], $0xffff;
	[tilespmem:v5+s9+$0x0 ss:$0x1] =	vst.idx.msk $0xffff, v25  }
0xc0: {  	v25 =	vadd.f32 v26, v17;
	[tilespmem:v6+s10+$0x0 ss:$0x1] =	vst.idx.msk $0xffff, v19;
	v19 =	vld.idx.msk [tilespmem:v8+s9+$0x0 ss:$0x1], $0xffff  }
0xc1: {  	[tilespmem:v6+s14+$0x0 ss:$0x1] =	vst.idx.msk $0xffff, v20;
	v20 =	vld.idx.msk [tilespmem:v7+s10+$0x0 ss:$0x1], $0xffff  }
0xc2: {  	v22 =	vadd.f32 v22, v14;
	v26 =	vld.idx.msk [tilespmem:v7+s14+$0x0 ss:$0x1], $0xffff;
	[tilespmem:v4+s26+$0x0 ss:$0x1] =	vst.idx.msk $0xffff, v25  }
0xc3: {  	v24 =	vadd.f32 v24, v18;
	v25 =	vld.idx.msk [tilespmem:v2+s26+$0x0 ss:$0x1], $0xffff  }
0xc4: {  	v21 =	vadd.f32 v21, v23;
	[tilespmem:v5+s12+$0x0 ss:$0x1] =	vst.idx.msk $0xffff, v22;
	v28 =	vld.idx.msk [tilespmem:v2+s18+$0x0 ss:$0x1], $0xffff  }
0xc5: {  	v22 =	vadd.f32 v27, v16;
	[tilespmem:v4+s1+$0x0 ss:$0x1] =	vst.idx.msk $0xffff, v24;
	v27 =	vld.idx.msk [tilespmem:v8+s12+$0x0 ss:$0x1], $0xffff  }
0xc6: {  	v19 =	vadd.f32 v19, v13;
	v29 =	vld.idx.msk [tilespmem:v2+s1+$0x0 ss:$0x1], $0xffff;
	[tilespmem:v6+s2+$0x0 ss:$0x1] =	vst.idx.msk $0xffff, v21  }
0xc7: {  	v20 =	vadd.f32 v20, v15;
	[tilespmem:v4+s11+$0x0 ss:$0x1] =	vst.idx.msk $0xffff, v22;
	v30 =	vld.idx.msk [tilespmem:v7+s2+$0x0 ss:$0x1], $0xffff  }
0xc8: {  	v21 =	vadd.f32 v26, v12;
	v22 =	vld.idx.msk [tilespmem:v2+s11+$0x0 ss:$0x1], $0xffff;
	[tilespmem:v6+s9+$0x0 ss:$0x1] =	vst.idx.msk $0xffff, v19  }
.Ltmp0:
0xc9: {  	p1 =	por !p1, !p1;
	s0 =	simm.s32 $0x1;
	v17 =	vadd.f32 v25, v17;
	[tilespmem:v4+s10+$0x0 ss:$0x1] =	vst.idx.msk $0xffff, v20;
	v19 =	vld.idx.msk [tilespmem:v7+s9+$0x0 ss:$0x1], $0xffff;
	(pc) =	sbr.rel @p2 .LBB2_3-.Ltmp0, $4  }
0xca: {  	s0 =	simm.s32 @!p1 $0x0;
	v20 =	vadd.f32 v28, v11;
	v11 =	vmov v23;
	[tilespmem:v4+s14+$0x0 ss:$0x1] =	vst.idx.msk $0xffff, v21;
	v24 =	vld.idx.msk [tilespmem:v2+s10+$0x0 ss:$0x1], $0xffff  }
0xcb: {  	s0 =	sshll.u32 s0, $0x6;
	v25 =	vadd.f32 v27, v14;
	v23 =	vld.idx.msk [tilespmem:v2+s14+$0x0 ss:$0x1], $0xffff;
	[tilespmem:v0+s26+$0x0 ss:$0x1] =	vst.idx.msk $0xffff, v17  }
0xcc: {  	s3 =	sadd.s32 s0, s19;
	v17 =	vadd.f32 v29, v18;
	[tilespmem:v0+s18+$0x0 ss:$0x1] =	vst.idx.msk $0xffff, v20;
	v21 =	vld.idx.msk [tilespmem:v2+s5+$0x0 ss:$0x1], $0xffff;
	s18 =	smov.u32 s2  }
0xcd: {  	s6 =	sadd.s32 $0x20, s3;
	s26 =	sadd.s32 $0x30, s3;
	s2 =	sadd.s32 $0x10, s3;
	v18 =	vadd.f32 v30, v11;
	[tilespmem:v6+s12+$0x0 ss:$0x1] =	vst.idx.msk $0xffff, v25;
	v20 =	vld.idx.msk [tilespmem:v2+s17+$0x0 ss:$0x1], $0xffff  }
0xce: {  	_ =	sdelay $0x3  }
0xcf: {  	[tilespmem:v0+s1+$0x0 ss:$0x1] =	vst.idx.msk $0xffff, v17;
	v16 =	vadd.f32 v22, v16;
	s7 =	sor.u32 $0x80, s26  }
0xd0: {  	v17 =	vld.idx.msk [tilespmem:v1+s7+$0x0 ss:$0x1], $0xffff  }
0xd1: {  	s26 =	sor.u32 $0x80, s2;
	v15 =	vadd.f32 v24, v15;
	v34 =	vld.idx.msk [tilespmem:v3+s7+$0x0 ss:$0x1], $0xffff;
	[tilespmem:v0+s11+$0x0 ss:$0x1] =	vst.idx.msk $0xffff, v16  }
0xd2: {  	v35 =	vld.idx.msk [tilespmem:v1+s26+$0x0 ss:$0x1], $0xffff  }
0xd3: {  	s31 =	sor.u32 $0x80, s6;
	v12 =	vadd.f32 v23, v12;
	[tilespmem:v0+s10+$0x0 ss:$0x1] =	vst.idx.msk $0xffff, v15;
	v36 =	vld.idx.msk [tilespmem:v3+s26+$0x0 ss:$0x1], $0xffff  }
0xd4: {  	v37 =	vld.idx.msk [tilespmem:v1+s31+$0x0 ss:$0x1], $0xffff  }
0xd5: {  	s3 =	sor.u32 $0x80, s3;
	[tilespmem:v0+s14+$0x0 ss:$0x1] =	vst.idx.msk $0xffff, v12;
	v38 =	vld.idx.msk [tilespmem:v3+s31+$0x0 ss:$0x1], $0xffff  }
0xd6: {  	v39 =	vld.idx.msk [tilespmem:v1+s3+$0x0 ss:$0x1], $0xffff  }
0xd7: {  	v40 =	vld.idx.msk [tilespmem:v3+s3+$0x0 ss:$0x1], $0xffff;
	_ =	sdelay $0x1  }
0xd8: {  	v16 =	vadd.f32 v34, v17  }
0xd9: {  	v15 =	vadd.f32 v36, v35  }
0xda: {  	[tilespmem:v5+s7+$0x0 ss:$0x1] =	vst.idx.msk $0xffff, v16;
	v12 =	vadd.f32 v38, v37  }
0xdb: {  	v16 =	vld.idx.msk [tilespmem:v8+s7+$0x0 ss:$0x1], $0xffff;
	[tilespmem:v5+s26+$0x0 ss:$0x1] =	vst.idx.msk $0xffff, v15;
	v3 =	vadd.f32 v40, v39  }
0xdc: {  	v15 =	vld.idx.msk [tilespmem:v8+s26+$0x0 ss:$0x1], $0xffff;
	[tilespmem:v5+s31+$0x0 ss:$0x1] =	vst.idx.msk $0xffff, v12  }
0xdd: {  	v42 =	vld.idx.msk [tilespmem:v8+s31+$0x0 ss:$0x1], $0xffff;
	[tilespmem:v5+s3+$0x0 ss:$0x1] =	vst.idx.msk $0xffff, v3  }
0xde: {  	v3 =	vld.idx.msk [tilespmem:v8+s3+$0x0 ss:$0x1], $0xffff;
	_ =	sdelay $0x1  }
0xdf: {  	v41 =	vadd.f32 v16, v17  }
0xe0: {  	v46 =	vld.idx.msk [tilespmem:v7+s12+$0x0 ss:$0x1], $0xffff;
	v44 =	vadd.f32 v15, v35  }
0xe1: {  	[tilespmem:v6+s7+$0x0 ss:$0x1] =	vst.idx.msk $0xffff, v41;
	v45 =	vadd.f32 v42, v37  }
0xe2: {  	v43 =	vld.idx.msk [tilespmem:v7+s7+$0x0 ss:$0x1], $0xffff;
	[tilespmem:v6+s26+$0x0 ss:$0x1] =	vst.idx.msk $0xffff, v44;
	v3 =	vadd.f32 v3, v39  }
0xe3: {  	v48 =	vld.idx.msk [tilespmem:v7+s26+$0x0 ss:$0x1], $0xffff;
	[tilespmem:v6+s31+$0x0 ss:$0x1] =	vst.idx.msk $0xffff, v45  }
0xe4: {  	v49 =	vadd.f32 v19, v13;
	v12 =	vld.idx.msk [tilespmem:v7+s31+$0x0 ss:$0x1], $0xffff;
	[tilespmem:v6+s3+$0x0 ss:$0x1] =	vst.idx.msk $0xffff, v3  }
0xe5: {  	[tilespmem:v4+s18+$0x0 ss:$0x1] =	vst.idx.msk $0xffff, v18;
	v50 =	vadd.f32 v46, v14;
	v3 =	vld.idx.msk [tilespmem:v7+s3+$0x0 ss:$0x1], $0xffff  }
0xe6: {  	[tilespmem:v4+s9+$0x0 ss:$0x1] =	vst.idx.msk $0xffff, v49;
	v47 =	vadd.f32 v21, v10  }
0xe7: {  	v52 =	vld.idx.msk [tilespmem:v2+s18+$0x0 ss:$0x1], $0xffff;
	[tilespmem:v4+s12+$0x0 ss:$0x1] =	vst.idx.msk $0xffff, v50;
	v5 =	vadd.f32 v43, v17  }
0xe8: {  	[tilespmem:v0+s5+$0x0 ss:$0x1] =	vst.idx.msk $0xffff, v47;
	v56 =	vld.idx.msk [tilespmem:v2+s12+$0x0 ss:$0x1], $0xffff;
	v53 =	vadd.f32 v48, v35  }
0xe9: {  	v54 =	vld.idx.msk [tilespmem:v2+s9+$0x0 ss:$0x1], $0xffff;
	[tilespmem:v4+s7+$0x0 ss:$0x1] =	vst.idx.msk $0xffff, v5;
	v55 =	vadd.f32 v12, v37  }
0xea: {  	v51 =	vld.idx.msk [tilespmem:v2+s7+$0x0 ss:$0x1], $0xffff;
	[tilespmem:v4+s26+$0x0 ss:$0x1] =	vst.idx.msk $0xffff, v53;
	v3 =	vadd.f32 v3, v39  }
0xeb: {  	v57 =	vadd.f32 v20, v9;
	[tilespmem:v4+s31+$0x0 ss:$0x1] =	vst.idx.msk $0xffff, v55;
	v58 =	vld.idx.msk [tilespmem:v2+s26+$0x0 ss:$0x1], $0xffff  }
0xec: {  	v60 =	vadd.f32 v52, v11;
	[tilespmem:v4+s3+$0x0 ss:$0x1] =	vst.idx.msk $0xffff, v3;
	v59 =	vld.idx.msk [tilespmem:v2+s31+$0x0 ss:$0x1], $0xffff  }
0xed: {  	[tilespmem:v0+s17+$0x0 ss:$0x1] =	vst.idx.msk $0xffff, v57;
	v62 =	vadd.f32 v56, v14;
	v61 =	vld.idx.msk [tilespmem:v2+s3+$0x0 ss:$0x1], $0xffff  }
0xee: {  	[tilespmem:v0+s18+$0x0 ss:$0x1] =	vst.idx.msk $0xffff, v60;
	v5 =	vadd.f32 v54, v13  }
0xef: {  	[tilespmem:v0+s12+$0x0 ss:$0x1] =	vst.idx.msk $0xffff, v62;
	v7 =	vadd.f32 v51, v17  }
0xf0: {  	[tilespmem:v0+s9+$0x0 ss:$0x1] =	vst.idx.msk $0xffff, v5;
	v63 =	vadd.f32 v58, v35  }
0xf1: {  	[tilespmem:v0+s7+$0x0 ss:$0x1] =	vst.idx.msk $0xffff, v7;
	v3 =	vadd.f32 v59, v37  }
0xf2: {  	[tilespmem:v0+s26+$0x0 ss:$0x1] =	vst.idx.msk $0xffff, v63;
	v1 =	vadd.f32 v61, v39  }
0xf3: {  	p1 =	sne.s32 s30, s29;
	[tilespmem:v0+s31+$0x0 ss:$0x1] =	vst.idx.msk $0xffff, v3  }
0xf4: {  	p0 =	por p0, p1;
	[tilespmem:v0+s3+$0x0 ss:$0x1] =	vst.idx.msk $0xffff, v1  }
0xf5: {  	s0 =	sshll.u32 @p0 s20, $0xB;
	s1 =	sshll.u32 @p0 s30, $0x8;
	_ =	strace $0x9000004D  }
0xf6: {  	s0 =	sand.u32 @p0 $0xFFFFE000, s0;
	s1 =	sand.u32 @p0 $0x300, s1;
	_ =	strace @p0 $0x8000004E  }
0xf7: {  	s0 =	sor.u32 @p0 s1, s0;
	s1 =	rddreg [dreg:$0xd]  }
0xf8: {  	s2 =	rddreg [dreg:$0x2]  }
0xf9: {  	s0 =	sshrl.u32 @p0 s0, $0x3;
	s3 =	simm.s32 @p0 $0x400;
	s5 =	rddreg [dreg:$0xc]  }
0xfa: {  	s1 =	sadd.s32 @p0 $0x5, s1;
	s0 =	sadd.s32 @p0 s2, s0;
	s2 =	simm.s32 @p0 $0x100  }
0xfb: {  	[hbm4b:s0+s2] =	stream.strided.scatter @p0 [tilespmem:s5], [sflag:s1], $0x800, s3, s2, $0x200038;
	[tilespmem:$0x9000] =	vst v63  }
0xfc: {  	s5 =	sadd.s32 @p0 $0x40000, s0  }
0xfd: {  	[hbm4b:s5+s2] =	stream.strided.scatter @p0 [tilespmem:s4], [sflag:s1], $0x800, s3, s2, $0x200038;
	[tilespmem:$0x9000] =	vst v63  }
0xfe: {  	s4 =	sadd.s32 @p0 $0x80000, s0;
	s5 =	rddreg [dreg:$0xe]  }
0xff: {  	[hbm4b:s4+s2] =	stream.strided.scatter @p0 [tilespmem:s5], [sflag:s1], $0x800, s3, s2, $0x200038;
	[tilespmem:$0x9000] =	vst v63  }
0x100: {  	p1 =	seq.s32 s28, $0x0;
	s0 =	sadd.s32 @p0 $0xC0000, s0  }
0x101: {  	[hbm4b:s0+s2] =	stream.strided.scatter @p0 [tilespmem:s15], [sflag:s1], $0x800, s3, s2, $0x200038;
	[tilespmem:$0x9000] =	vst v63  }
0x102: {  	p2 =	sne.s32 s28, $0x0;
	s28 =	sadd.s32 $0x1, s28;
	s0 =	sand.u32 @!p1 $0x1, s21  }
0x103: {  	s1 =	simm.s32 $0x1;
	_ =	strace @p0 $0x9000004E;
	s0 =	sadd.s32 @!p1 $0x5, s0  }
0x104: {  	s1 =	simm.s32 @!p0 $0x0;
	p0 =	sne.s32 s28, $0x20;
	_ =	strace @!p1 $0x8000004F  }
.Ltmp1:
0x105: {  	_ =	swait.ge @!p1 [sflag:s0], $0x2000;
	(pc) =	sbr.rel @p0 .LBB2_2-.Ltmp1, $4  }
0x106: {  	s24 =	sadd.s32 s24, s16;
	[sflag:s0] =	ssyncset.done @!p1 $0x0  }
0x107: {  	s30 =	smov.u32 s29;
	[sflag:s0] =	ssyncadd.s32 @!p1 $0xFFFFE000;
	s0 =	simm.s32 $0x1  }
0x108: {  	s22 =	sadd.s32 s1, s22;
	s25 =	sadd.s32 s1, s25;
	s0 =	simm.s32 @!p2 $0x0  }
0x109: {  	s23 =	sadd.s32 s1, s23;
	_ =	strace @!p1 $0x9000004F;
	s21 =	sadd.s32 s0, s21  }
0x10a: {  	_ =	strace $0x80000050;
	s0 =	simm.s32 $0x6  }
0x10b: {  	_ =	swait.ge [sflag:s0], $0x2000  }
0x10c: {  	s1 =	rddreg [dreg:$0xb]  }
0x10d: {  	s31 =	rddreg [dreg:$0x7];
	s1 =	sadd.s32 $0x1, s1  }
0x10e: {  	p0 =	sne.s32 s1, s31  }
.Ltmp2:
0x10f: {  	_ = 	snop;
	(pc) =	sbr.rel @p0 .LBB2_1-.Ltmp2, $4  }
0x110: {  	_ = 	snop  }
0x111: {  	[sflag:s0] =	ssyncset.done $0x0  }
0x112: {  	[sflag:s0] =	ssyncadd.s32 $0xFFFFE000  }
0x113: {  	_ =	strace $0x90000050  }
0x114: {  	_ =	sfence.sel $0x180000  }
0x115: {  	[bflag:$0x0] =	sbarrier.arrive $0xFFFF  }
0x116: {  	_ =	strace $0x90000047  }
0x117: {  	s0 =	stileid.u32;
	[bflag:$0x2] =	sbarrier.arrive $0xFFFF  }
0x118: {  	p0 =	sne.s32 s0, $0x0;
	s0 =	rddreg [dreg:$0x3]  }
0x119: {  	s0 =	sadd.s32 @!p0 $0x100000, s0  }
0x11a: {  	[sflag:s0] =	ssyncadd.tile.s32 @!p0 $0x1;
	_ =	shalt  }
.Lfunc_end2:
_tile_overlayer_lowered:
.L_overlay_start_2:
0x11b: {  	(tag) =	ssettag $0x2  }
0x11c: {  	s0 =	rddreg [dreg:$0x0];
	s2 =	stileid.u32  }
0x11d: {  	s1 =	rddreg [dreg:$0x1];
	p0 =	sne.s32 s2, $0x0  }
0x11e: {  	s3 =	rddreg [dreg:$0x2];
	[bflag:$0x3] =	sbarrier.arrive $0xFFFF;
	s2 =	simm.s32 @!p0 $0x1C01  }
0x11f: {  	[timem:s3], [sflag:s2] =	dma.local @!p0 [hbm:s0], s1  }
0x120: {  	s0 =	simm.s32 @!p0 $0x1  }
0x121: {  	_ =	swait.ge @!p0 [sflag:s0], s1  }
0x122: {  	s1 =	ssub.s32 @!p0 $0x0, s1;
	[sflag:s0] =	ssyncset.done @!p0 $0x0  }
0x123: {  	[sflag:s0] =	ssyncadd.s32 @!p0 s1  }
0x124: {  	[bflag:$0x3] =	sbarrier.arrive $0xFFFF  }
0x125: {  	_ =	shalt  }

</sc_bundles>
